<compile_context>
chip_gen: v7x
topology: tpu7x:2x2x1
jax: 0.10.2.dev20260603
libtpu: 0.0.44.dev20260713+nightly
codegen_flags: <defaults>
</compile_context>

<pallas_src>
import functools

import jax
import jax.numpy as jnp
from jax import lax
from jax.experimental import pallas as pl
from jax.experimental.pallas import tpu as pltpu
from jax.experimental.pallas import tpu_sc as plsc

N = 1024
E = 32768
D = 128
NC = 2
NS = 16
HALF = N // NC
EPT = E // NS
NCH = EPT // 16
NB = EPT // 128
ACC = HALF * N + N
ZPT = ACC // NS
ZBUF = ZPT // 4
RPT = HALF // NS


def _abuild_body(edge_hbm, out_hbm, srcdst_v, idx_v, ones_v, zbuf_v, acc_sh,
                 sem_e, sem_z, sem_s, sem_o):
    c = lax.axis_index("c")
    s = lax.axis_index("s")
    base = s * EPT
    ec0 = pltpu.async_copy(edge_hbm.at[0, pl.ds(base, EPT)], srcdst_v.at[0], sem_e)
    ec1 = pltpu.async_copy(edge_hbm.at[1, pl.ds(base, EPT)], srcdst_v.at[1], sem_e)

    z16 = jnp.zeros((16,), jnp.float32)

    def _fill_z(i, carry):
        zbuf_v[pl.ds(i * 16, 16)] = z16
        return carry

    lax.fori_loop(0, ZBUF // 16, _fill_z, 0)
    for i in range(8):
        ones_v[pl.ds(i * 16, 16)] = jnp.ones((16,), jnp.float32)

    zcs = [pltpu.async_copy(zbuf_v, acc_sh.at[pl.ds(s * ZPT + k * ZBUF, ZBUF)], sem_z)
           for k in range(ZPT // ZBUF)]

    ec0.wait()
    ec1.wait()

    row0 = c * HALF

    def _idx(i, carry):
        sv = srcdst_v[0, pl.ds(i * 16, 16)]
        dv = srcdst_v[1, pl.ds(i * 16, 16)]
        local = dv - row0
        ok = (local >= 0) & (local < HALF)
        flat = jnp.where(ok, local * N + sv, HALF * N + sv)
        idx_v[lax.shift_right_logical(i, 3), pl.ds((i & 7) * 16, 16)] = flat
        return carry

    lax.fori_loop(0, NCH, _idx, 0)
    for cp in zcs:
        cp.wait()
    plsc.subcore_barrier()
    scs = [pltpu.async_copy(ones_v, acc_sh.at[idx_v.at[b]], sem_s, add=True)
           for b in range(NB)]
    for cp in scs:
        cp.wait()
    plsc.subcore_barrier()

    def _fire(k, carry):
        r = s * RPT + k
        pltpu.async_copy(acc_sh.at[pl.ds(r * N, N)], out_hbm.at[row0 + r], sem_o)
        return carry

    lax.fori_loop(0, RPT, _fire, 0)

    def _drain(k, carry):
        pltpu.make_async_copy(acc_sh.at[pl.ds(0, N)], out_hbm.at[row0], sem_o).wait()
        return carry

    lax.fori_loop(0, RPT, _drain, 0)


@functools.lru_cache(maxsize=None)
def _make_abuild():
    return pl.kernel(
        _abuild_body,
        out_type=jax.ShapeDtypeStruct((N, N), jnp.float32),
        mesh=plsc.VectorSubcoreMesh(core_axis_name="c", subcore_axis_name="s",
                                    num_cores=NC, num_subcores=NS),
        scratch_types=[
            pltpu.VMEM((2, EPT), jnp.int32),
            pltpu.VMEM((NB, 128), jnp.int32),
            pltpu.VMEM((128,), jnp.float32),
            pltpu.VMEM((ZBUF,), jnp.float32),
            pltpu.VMEM_SHARED((ACC,), jnp.float32),
            pltpu.SemaphoreType.DMA,
            pltpu.SemaphoreType.DMA,
            pltpu.SemaphoreType.DMA,
            pltpu.SemaphoreType.DMA,
        ],
    )


def _exact_aggmm(A_bf, h):
    h1 = h.astype(jnp.bfloat16)
    r1 = h - h1.astype(jnp.float32)
    h2 = r1.astype(jnp.bfloat16)
    h3 = (r1 - h2.astype(jnp.float32)).astype(jnp.bfloat16)
    out = jnp.dot(A_bf, h1, preferred_element_type=jnp.float32)
    out += jnp.dot(A_bf, h2, preferred_element_type=jnp.float32)
    out += jnp.dot(A_bf, h3, preferred_element_type=jnp.float32)
    return out


def _dense_body(a_ref, x_ref, w01_ref, b01_ref, w02_ref, b02_ref,
                w11_ref, b11_ref, w12_ref, b12_ref,
                ow_ref, ob_ref, epw_ref, epb_ref, o_ref):
    A_bf = a_ref[...].astype(jnp.bfloat16)
    x = x_ref[...]
    z = x + _exact_aggmm(A_bf, x)
    t = jnp.maximum(jnp.dot(z, w01_ref[...], preferred_element_type=jnp.float32)
                    + b01_ref[...], 0.0)
    h1 = jnp.maximum(jnp.dot(t, w02_ref[...], preferred_element_type=jnp.float32)
                     + b02_ref[...], 0.0)
    z2 = h1 + _exact_aggmm(A_bf, h1)
    t2 = jnp.maximum(jnp.dot(z2, w11_ref[...], preferred_element_type=jnp.float32)
                     + b11_ref[...], 0.0)
    h2 = jnp.maximum(jnp.dot(t2, w12_ref[...], preferred_element_type=jnp.float32)
                     + b12_ref[...], 0.0)
    hh = jnp.dot(h2, ow_ref[...], preferred_element_type=jnp.float32) + ob_ref[...]
    epw = epw_ref[...]
    a = jnp.dot(hh, epw[:D, :], preferred_element_type=jnp.float32)
    brow = lax.dot_general(epw[D:, :], hh, (((0,), (1,)), ((), ())),
                           preferred_element_type=jnp.float32)
    o_ref[...] = a + brow + epb_ref[...]


_dense = pl.pallas_call(
    _dense_body,
    out_shape=jax.ShapeDtypeStruct((N, N), jnp.float32),
)


def kernel(x, edge_index, g0_W1, g0_b1, g0_W2, g0_b2, g1_W1, g1_b1,
           g1_W2, g1_b2, out_W, out_b, ep_W, ep_b):
    a2 = _make_abuild()(edge_index)
    out = _dense(a2, x, g0_W1, g0_b1, g0_W2, g0_b2,
                 g1_W1, g1_b1, g1_W2, g1_b2,
                 out_W, out_b, ep_W, ep_b)
    return out

# --- scband reference (transcript-rebuilt; emitter-appended) ---
"""Pipeline reference for scband-gingnn-76184129896629 (READ-ONLY COPY).

The authoritative reference and input builder live on the scoring server;
editing this copy changes nothing except your own understanding.
"""

import jax, jax.numpy as jnp
import numpy as np


def _init_linear(key, fan_in, fan_out):
    k1, k2 = jax.random.split(key)
    bound = 1.0 / np.sqrt(fan_in)
    W = jax.random.uniform(k1, (fan_in, fan_out), minval=-bound, maxval=bound, dtype=jnp.float32)
    b = jax.random.uniform(k2, (fan_out,), minval=-bound, maxval=bound, dtype=jnp.float32)
    return W, b


def setup_inputs(seed: int = 0):
    key = jax.random.key(seed)
    ks = jax.random.split(key, 9)
    N, E, in_dim, hidden = 1024, 32768, 128, 128
    x = jax.random.normal(ks[0], (N, in_dim), dtype=jnp.float32)
    edge_index = jax.random.randint(ks[1], (2, E), 0, N, dtype=jnp.int32)
    g0_W1, g0_b1 = _init_linear(ks[2], in_dim, hidden)
    g0_W2, g0_b2 = _init_linear(ks[3], hidden, hidden)
    g1_W1, g1_b1 = _init_linear(ks[4], hidden, hidden)
    g1_W2, g1_b2 = _init_linear(ks[5], hidden, hidden)
    out_W, out_b = _init_linear(ks[6], hidden, hidden)
    ep_W, ep_b = _init_linear(ks[7], 2 * hidden, 1)
    return {
        'x': x, 'edge_index': edge_index,
        'g0_W1': g0_W1, 'g0_b1': g0_b1, 'g0_W2': g0_W2, 'g0_b2': g0_b2,
        'g1_W1': g1_W1, 'g1_b1': g1_b1, 'g1_W2': g1_W2, 'g1_b2': g1_b2,
        'out_W': out_W, 'out_b': out_b, 'ep_W': ep_W, 'ep_b': ep_b,
    }


def reference(x, edge_index, g0_W1, g0_b1, g0_W2, g0_b2, g1_W1, g1_b1, g1_W2, g1_b2, out_W, out_b, ep_W, ep_b):
    src = edge_index[0]
    dst = edge_index[1]

    def gin_conv(h, W1, b1, W2, b2):
        # GINConv (eps=0): nn((1+eps)*x + sum_{j in N(i)} x_j)
        agg = jax.ops.segment_sum(h[src], dst, num_segments=h.shape[0])
        z = h + agg
        z = jnp.maximum(z @ W1 + b1, 0.0)
        return z @ W2 + b2

    h = jnp.maximum(gin_conv(x, g0_W1, g0_b1, g0_W2, g0_b2), 0.0)
    h = jnp.maximum(gin_conv(h, g1_W1, g1_b1, g1_W2, g1_b2), 0.0)
    h = h @ out_W + out_b
    n = h.shape[0]
    d = h.shape[1]
    x_i = jnp.broadcast_to(h[:, None, :], (n, n, d))
    x_j = jnp.broadcast_to(h[None, :, :], (n, n, d))
    edge_feat = jnp.concatenate([x_i, x_j], axis=-1)
    edge_logits = jnp.squeeze(edge_feat @ ep_W + ep_b, -1)
    return edge_logits

if __name__ == "__main__":
    import jax
    _d = setup_inputs()
    print(jax.jit(kernel)(*tuple(_d.values())))

</pallas_src>

<mosaic_0001>
#map = affine_map<(d0, d1) -> (0, 0)>
module attributes {stable_mosaic.version = 14 : i64} {
  func.func @_abuild_body(%arg0: i32, %arg1: i32, %arg2: memref<2x32768xi32, #tpu.memory_space<hbm>>, %arg3: memref<1024x1024xf32, #tpu.memory_space<hbm>>, %arg4: memref<2x2048xi32, #tpu.memory_space<vmem>>, %arg5: memref<16x128xi32, #tpu.memory_space<vmem>>, %arg6: memref<128xf32, #tpu.memory_space<vmem>>, %arg7: memref<8208xf32, #tpu.memory_space<vmem>>, %arg8: memref<525312xf32, #tpu.memory_space<vmem_shared>>, %arg9: memref<!tpu.dma_semaphore, #tpu.memory_space<semaphore_mem>>, %arg10: memref<!tpu.dma_semaphore, #tpu.memory_space<semaphore_mem>>, %arg11: memref<!tpu.dma_semaphore, #tpu.memory_space<semaphore_mem>>, %arg12: memref<!tpu.dma_semaphore, #tpu.memory_space<semaphore_mem>>) attributes {dimension_semantics = [#tpu.dimension_semantics<core_parallel>, #tpu.dimension_semantics<subcore_parallel>], iteration_bounds = array<i64: 2, 16>, scalar_prefetch = 0 : i64, scratch_operands = 9 : i64, tpu.core_type = #tpu.core_type<sc_vector_subcore>, window_params = [{transform_indices = #map}, {transform_indices = #map}]} {
    %mul3A = arith.constant 2048 : i32
    %mul3A_0 = arith.muli %arg1, %mul3A : i32
    %dma_start3A = arith.constant 0 : i32
    %dma_start3A_1 = arith.constant 0 : i32
    %dma_start3A_2 = arith.constant 0 : i32
    %dma_start3A_3 = tpu.memref_slice %arg4[%dma_start3A_1, %dma_start3A_2] : memref<2x2048xi32, #tpu.memory_space<vmem>> -> memref<1x2048xi32, #tpu.memory_space<vmem>>
    %dma_start3A_4 = tpu.memref_squeeze %dma_start3A_3 : memref<1x2048xi32, #tpu.memory_space<vmem>> -> memref<2048xi32, #tpu.memory_space<vmem>>
    %dma_start3A_5 = tpu.memref_slice %arg2[%dma_start3A, %mul3A_0] : memref<2x32768xi32, #tpu.memory_space<hbm>> -> memref<1x2048xi32, #tpu.memory_space<hbm>>
    %dma_start3A_6 = tpu.memref_squeeze %dma_start3A_5 : memref<1x2048xi32, #tpu.memory_space<hbm>> -> memref<2048xi32, #tpu.memory_space<hbm>>
    %dma_start3A_7 = arith.constant 0 : i32
    %dma_start3A_8 = tpu.memref_slice %arg4[%dma_start3A_1, %dma_start3A_7] : memref<2x2048xi32, #tpu.memory_space<vmem>> -> memref<1x2048xi32, #tpu.memory_space<vmem>>
    %dma_start3A_9 = tpu.memref_squeeze %dma_start3A_8 : memref<1x2048xi32, #tpu.memory_space<vmem>> -> memref<2048xi32, #tpu.memory_space<vmem>>
    %dma_start3A_10 = tpu.memref_slice %arg2[%dma_start3A, %mul3A_0] : memref<2x32768xi32, #tpu.memory_space<hbm>> -> memref<1x2048xi32, #tpu.memory_space<hbm>>
    %dma_start3A_11 = tpu.memref_squeeze %dma_start3A_10 : memref<1x2048xi32, #tpu.memory_space<hbm>> -> memref<2048xi32, #tpu.memory_space<hbm>>
    tpu.enqueue_dma source(%dma_start3A_11 : memref<2048xi32, #tpu.memory_space<hbm>>) target(%dma_start3A_9 : memref<2048xi32, #tpu.memory_space<vmem>>) target_semaphore(%arg9 : memref<!tpu.dma_semaphore, #tpu.memory_space<semaphore_mem>>)
    %dma_start3A_12 = arith.constant 1 : i32
    %dma_start3A_13 = arith.constant 1 : i32
    %dma_start3A_14 = arith.constant 0 : i32
    %dma_start3A_15 = tpu.memref_slice %arg4[%dma_start3A_13, %dma_start3A_14] : memref<2x2048xi32, #tpu.memory_space<vmem>> -> memref<1x2048xi32, #tpu.memory_space<vmem>>
    %dma_start3A_16 = tpu.memref_squeeze %dma_start3A_15 : memref<1x2048xi32, #tpu.memory_space<vmem>> -> memref<2048xi32, #tpu.memory_space<vmem>>
    %dma_start3A_17 = tpu.memref_slice %arg2[%dma_start3A_12, %mul3A_0] : memref<2x32768xi32, #tpu.memory_space<hbm>> -> memref<1x2048xi32, #tpu.memory_space<hbm>>
    %dma_start3A_18 = tpu.memref_squeeze %dma_start3A_17 : memref<1x2048xi32, #tpu.memory_space<hbm>> -> memref<2048xi32, #tpu.memory_space<hbm>>
    %dma_start3A_19 = arith.constant 0 : i32
    %dma_start3A_20 = tpu.memref_slice %arg4[%dma_start3A_13, %dma_start3A_19] : memref<2x2048xi32, #tpu.memory_space<vmem>> -> memref<1x2048xi32, #tpu.memory_space<vmem>>
    %dma_start3A_21 = tpu.memref_squeeze %dma_start3A_20 : memref<1x2048xi32, #tpu.memory_space<vmem>> -> memref<2048xi32, #tpu.memory_space<vmem>>
    %dma_start3A_22 = tpu.memref_slice %arg2[%dma_start3A_12, %mul3A_0] : memref<2x32768xi32, #tpu.memory_space<hbm>> -> memref<1x2048xi32, #tpu.memory_space<hbm>>
    %dma_start3A_23 = tpu.memref_squeeze %dma_start3A_22 : memref<1x2048xi32, #tpu.memory_space<hbm>> -> memref<2048xi32, #tpu.memory_space<hbm>>
    tpu.enqueue_dma source(%dma_start3A_23 : memref<2048xi32, #tpu.memory_space<hbm>>) target(%dma_start3A_21 : memref<2048xi32, #tpu.memory_space<vmem>>) target_semaphore(%arg9 : memref<!tpu.dma_semaphore, #tpu.memory_space<semaphore_mem>>)
    %broadcast_in_dim3A = arith.constant 0.000000e+00 : f32
    %broadcast_in_dim3A_24 = vector.broadcast %broadcast_in_dim3A : f32 to vector<16xf32>
    %scan3A = arith.constant 0 : i32
    %scan3A_25 = arith.constant 0 : i32
    %scan3A_26 = arith.constant 513 : i32
    %scan3A_27 = arith.addi %scan3A_25, %scan3A_26 : i32
    %scan3A_28 = arith.constant 1 : i32
    scf.for %scan3A_344 = %scan3A_25 to %scan3A_27 step %scan3A_28  : i32 {
      %mul3A_345 = arith.constant 16 : i32
      %mul3A_346 = arith.muli %scan3A_344, %mul3A_345 : i32
      %swap3A_347 = arith.index_cast %mul3A_346 : i32 to index
      %swap3A_348 = tpu.vector_load %arg7[%swap3A_347] {strides = array<i32>} : memref<8208xf32, #tpu.memory_space<vmem>>, vector<16xf32>,
      %swap3A_349 = vector.shape_cast %swap3A_348 : vector<16xf32> to vector<16xf32>
      %swap3A_350 = vector.shape_cast %broadcast_in_dim3A_24 : vector<16xf32> to vector<16xf32>
      tpu.vector_store %arg7[%swap3A_347], %swap3A_350 {strides = array<i32>} : memref<8208xf32, #tpu.memory_space<vmem>>, vector<16xf32>,
    }
    %scan3A_29 = arith.constant 513 : i32
    %broadcast_in_dim3A_30 = arith.constant 1.000000e+00 : f32
    %broadcast_in_dim3A_31 = vector.broadcast %broadcast_in_dim3A_30 : f32 to vector<16xf32>
    %swap3A = arith.constant 0 : index
    %swap3A_32 = tpu.vector_load %arg6[%swap3A] {strides = array<i32>} : memref<128xf32, #tpu.memory_space<vmem>>, vector<16xf32>,
    %swap3A_33 = vector.shape_cast %swap3A_32 : vector<16xf32> to vector<16xf32>
    %swap3A_34 = vector.shape_cast %broadcast_in_dim3A_31 : vector<16xf32> to vector<16xf32>
    tpu.vector_store %arg6[%swap3A], %swap3A_34 {strides = array<i32>} : memref<128xf32, #tpu.memory_space<vmem>>, vector<16xf32>,
    %broadcast_in_dim3A_35 = arith.constant 1.000000e+00 : f32
    %broadcast_in_dim3A_36 = vector.broadcast %broadcast_in_dim3A_35 : f32 to vector<16xf32>
    %swap3A_37 = arith.constant 16 : index
    %swap3A_38 = tpu.vector_load %arg6[%swap3A_37] {strides = array<i32>} : memref<128xf32, #tpu.memory_space<vmem>>, vector<16xf32>,
    %swap3A_39 = vector.shape_cast %swap3A_38 : vector<16xf32> to vector<16xf32>
    %swap3A_40 = vector.shape_cast %broadcast_in_dim3A_36 : vector<16xf32> to vector<16xf32>
    tpu.vector_store %arg6[%swap3A_37], %swap3A_40 {strides = array<i32>} : memref<128xf32, #tpu.memory_space<vmem>>, vector<16xf32>,
    %broadcast_in_dim3A_41 = arith.constant 1.000000e+00 : f32
    %broadcast_in_dim3A_42 = vector.broadcast %broadcast_in_dim3A_41 : f32 to vector<16xf32>
    %swap3A_43 = arith.constant 32 : index
    %swap3A_44 = tpu.vector_load %arg6[%swap3A_43] {strides = array<i32>} : memref<128xf32, #tpu.memory_space<vmem>>, vector<16xf32>,
    %swap3A_45 = vector.shape_cast %swap3A_44 : vector<16xf32> to vector<16xf32>
    %swap3A_46 = vector.shape_cast %broadcast_in_dim3A_42 : vector<16xf32> to vector<16xf32>
    tpu.vector_store %arg6[%swap3A_43], %swap3A_46 {strides = array<i32>} : memref<128xf32, #tpu.memory_space<vmem>>, vector<16xf32>,
    %broadcast_in_dim3A_47 = arith.constant 1.000000e+00 : f32
    %broadcast_in_dim3A_48 = vector.broadcast %broadcast_in_dim3A_47 : f32 to vector<16xf32>
    %swap3A_49 = arith.constant 48 : index
    %swap3A_50 = tpu.vector_load %arg6[%swap3A_49] {strides = array<i32>} : memref<128xf32, #tpu.memory_space<vmem>>, vector<16xf32>,
    %swap3A_51 = vector.shape_cast %swap3A_50 : vector<16xf32> to vector<16xf32>
    %swap3A_52 = vector.shape_cast %broadcast_in_dim3A_48 : vector<16xf32> to vector<16xf32>
    tpu.vector_store %arg6[%swap3A_49], %swap3A_52 {strides = array<i32>} : memref<128xf32, #tpu.memory_space<vmem>>, vector<16xf32>,
    %broadcast_in_dim3A_53 = arith.constant 1.000000e+00 : f32
    %broadcast_in_dim3A_54 = vector.broadcast %broadcast_in_dim3A_53 : f32 to vector<16xf32>
    %swap3A_55 = arith.constant 64 : index
    %swap3A_56 = tpu.vector_load %arg6[%swap3A_55] {strides = array<i32>} : memref<128xf32, #tpu.memory_space<vmem>>, vector<16xf32>,
    %swap3A_57 = vector.shape_cast %swap3A_56 : vector<16xf32> to vector<16xf32>
    %swap3A_58 = vector.shape_cast %broadcast_in_dim3A_54 : vector<16xf32> to vector<16xf32>
    tpu.vector_store %arg6[%swap3A_55], %swap3A_58 {strides = array<i32>} : memref<128xf32, #tpu.memory_space<vmem>>, vector<16xf32>,
    %broadcast_in_dim3A_59 = arith.constant 1.000000e+00 : f32
    %broadcast_in_dim3A_60 = vector.broadcast %broadcast_in_dim3A_59 : f32 to vector<16xf32>
    %swap3A_61 = arith.constant 80 : index
    %swap3A_62 = tpu.vector_load %arg6[%swap3A_61] {strides = array<i32>} : memref<128xf32, #tpu.memory_space<vmem>>, vector<16xf32>,
    %swap3A_63 = vector.shape_cast %swap3A_62 : vector<16xf32> to vector<16xf32>
    %swap3A_64 = vector.shape_cast %broadcast_in_dim3A_60 : vector<16xf32> to vector<16xf32>
    tpu.vector_store %arg6[%swap3A_61], %swap3A_64 {strides = array<i32>} : memref<128xf32, #tpu.memory_space<vmem>>, vector<16xf32>,
    %broadcast_in_dim3A_65 = arith.constant 1.000000e+00 : f32
    %broadcast_in_dim3A_66 = vector.broadcast %broadcast_in_dim3A_65 : f32 to vector<16xf32>
    %swap3A_67 = arith.constant 96 : index
    %swap3A_68 = tpu.vector_load %arg6[%swap3A_67] {strides = array<i32>} : memref<128xf32, #tpu.memory_space<vmem>>, vector<16xf32>,
    %swap3A_69 = vector.shape_cast %swap3A_68 : vector<16xf32> to vector<16xf32>
    %swap3A_70 = vector.shape_cast %broadcast_in_dim3A_66 : vector<16xf32> to vector<16xf32>
    tpu.vector_store %arg6[%swap3A_67], %swap3A_70 {strides = array<i32>} : memref<128xf32, #tpu.memory_space<vmem>>, vector<16xf32>,
    %broadcast_in_dim3A_71 = arith.constant 1.000000e+00 : f32
    %broadcast_in_dim3A_72 = vector.broadcast %broadcast_in_dim3A_71 : f32 to vector<16xf32>
    %swap3A_73 = arith.constant 112 : index
    %swap3A_74 = tpu.vector_load %arg6[%swap3A_73] {strides = array<i32>} : memref<128xf32, #tpu.memory_space<vmem>>, vector<16xf32>,
    %swap3A_75 = vector.shape_cast %swap3A_74 : vector<16xf32> to vector<16xf32>
    %swap3A_76 = vector.shape_cast %broadcast_in_dim3A_72 : vector<16xf32> to vector<16xf32>
    tpu.vector_store %arg6[%swap3A_73], %swap3A_76 {strides = array<i32>} : memref<128xf32, #tpu.memory_space<vmem>>, vector<16xf32>,
    %mul3A_77 = arith.constant 32832 : i32
    %mul3A_78 = arith.muli %arg1, %mul3A_77 : i32
    %add3A = arith.constant 0 : i32
    %add3A_79 = arith.addi %mul3A_78, %add3A : i32
    %dma_start3A_80 = tpu.memref_slice %arg8[%add3A_79] : memref<525312xf32, #tpu.memory_space<vmem_shared>> -> memref<8208xf32, #tpu.memory_space<vmem_shared>>
    %dma_start3A_81 = tpu.memref_slice %arg8[%add3A_79] : memref<525312xf32, #tpu.memory_space<vmem_shared>> -> memref<8208xf32, #tpu.memory_space<vmem_shared>>
    tpu.enqueue_dma source(%arg7 : memref<8208xf32, #tpu.memory_space<vmem>>) target(%dma_start3A_81 : memref<8208xf32, #tpu.memory_space<vmem_shared>>) target_semaphore(%arg10 : memref<!tpu.dma_semaphore, #tpu.memory_space<semaphore_mem>>)
    %mul3A_82 = arith.constant 32832 : i32
    %mul3A_83 = arith.muli %arg1, %mul3A_82 : i32
    %add3A_84 = arith.constant 8208 : i32
    %add3A_85 = arith.addi %mul3A_83, %add3A_84 : i32
    %dma_start3A_86 = tpu.memref_slice %arg8[%add3A_85] : memref<525312xf32, #tpu.memory_space<vmem_shared>> -> memref<8208xf32, #tpu.memory_space<vmem_shared>>
    %dma_start3A_87 = tpu.memref_slice %arg8[%add3A_85] : memref<525312xf32, #tpu.memory_space<vmem_shared>> -> memref<8208xf32, #tpu.memory_space<vmem_shared>>
    tpu.enqueue_dma source(%arg7 : memref<8208xf32, #tpu.memory_space<vmem>>) target(%dma_start3A_87 : memref<8208xf32, #tpu.memory_space<vmem_shared>>) target_semaphore(%arg10 : memref<!tpu.dma_semaphore, #tpu.memory_space<semaphore_mem>>)
    %mul3A_88 = arith.constant 32832 : i32
    %mul3A_89 = arith.muli %arg1, %mul3A_88 : i32
    %add3A_90 = arith.constant 16416 : i32
    %add3A_91 = arith.addi %mul3A_89, %add3A_90 : i32
    %dma_start3A_92 = tpu.memref_slice %arg8[%add3A_91] : memref<525312xf32, #tpu.memory_space<vmem_shared>> -> memref<8208xf32, #tpu.memory_space<vmem_shared>>
    %dma_start3A_93 = tpu.memref_slice %arg8[%add3A_91] : memref<525312xf32, #tpu.memory_space<vmem_shared>> -> memref<8208xf32, #tpu.memory_space<vmem_shared>>
    tpu.enqueue_dma source(%arg7 : memref<8208xf32, #tpu.memory_space<vmem>>) target(%dma_start3A_93 : memref<8208xf32, #tpu.memory_space<vmem_shared>>) target_semaphore(%arg10 : memref<!tpu.dma_semaphore, #tpu.memory_space<semaphore_mem>>)
    %mul3A_94 = arith.constant 32832 : i32
    %mul3A_95 = arith.muli %arg1, %mul3A_94 : i32
    %add3A_96 = arith.constant 24624 : i32
    %add3A_97 = arith.addi %mul3A_95, %add3A_96 : i32
    %dma_start3A_98 = tpu.memref_slice %arg8[%add3A_97] : memref<525312xf32, #tpu.memory_space<vmem_shared>> -> memref<8208xf32, #tpu.memory_space<vmem_shared>>
    %dma_start3A_99 = tpu.memref_slice %arg8[%add3A_97] : memref<525312xf32, #tpu.memory_space<vmem_shared>> -> memref<8208xf32, #tpu.memory_space<vmem_shared>>
    tpu.enqueue_dma source(%arg7 : memref<8208xf32, #tpu.memory_space<vmem>>) target(%dma_start3A_99 : memref<8208xf32, #tpu.memory_space<vmem_shared>>) target_semaphore(%arg10 : memref<!tpu.dma_semaphore, #tpu.memory_space<semaphore_mem>>)
    %dma_wait3A = arith.constant 0 : i32
    %dma_wait3A_100 = arith.constant 0 : i32
    %dma_wait3A_101 = arith.constant 0 : i32
    %dma_wait3A_102 = tpu.memref_slice %arg4[%dma_wait3A_100, %dma_wait3A_101] : memref<2x2048xi32, #tpu.memory_space<vmem>> -> memref<1x2048xi32, #tpu.memory_space<vmem>>
    %dma_wait3A_103 = tpu.memref_squeeze %dma_wait3A_102 : memref<1x2048xi32, #tpu.memory_space<vmem>> -> memref<2048xi32, #tpu.memory_space<vmem>>
    %dma_wait3A_104 = tpu.memref_slice %arg2[%dma_wait3A, %mul3A_0] : memref<2x32768xi32, #tpu.memory_space<hbm>> -> memref<1x2048xi32, #tpu.memory_space<hbm>>
    %dma_wait3A_105 = tpu.memref_squeeze %dma_wait3A_104 : memref<1x2048xi32, #tpu.memory_space<hbm>> -> memref<2048xi32, #tpu.memory_space<hbm>>
    %dma_wait3A_106 = arith.constant 0 : i32
    %dma_wait3A_107 = tpu.memref_slice %arg4[%dma_wait3A_100, %dma_wait3A_106] : memref<2x2048xi32, #tpu.memory_space<vmem>> -> memref<1x2048xi32, #tpu.memory_space<vmem>>
    %dma_wait3A_108 = tpu.memref_squeeze %dma_wait3A_107 : memref<1x2048xi32, #tpu.memory_space<vmem>> -> memref<2048xi32, #tpu.memory_space<vmem>>
    %dma_wait3A_109 = tpu.memref_slice %arg2[%dma_wait3A, %mul3A_0] : memref<2x32768xi32, #tpu.memory_space<hbm>> -> memref<1x2048xi32, #tpu.memory_space<hbm>>
    %dma_wait3A_110 = tpu.memref_squeeze %dma_wait3A_109 : memref<1x2048xi32, #tpu.memory_space<hbm>> -> memref<2048xi32, #tpu.memory_space<hbm>>
    tpu.wait_dma2 semaphore(%arg9 : memref<!tpu.dma_semaphore, #tpu.memory_space<semaphore_mem>>) src(%dma_wait3A_110 : memref<2048xi32, #tpu.memory_space<hbm>>) dst(%dma_wait3A_108 : memref<2048xi32, #tpu.memory_space<vmem>>)
    %dma_wait3A_111 = arith.constant 1 : i32
    %dma_wait3A_112 = arith.constant 1 : i32
    %dma_wait3A_113 = arith.constant 0 : i32
    %dma_wait3A_114 = tpu.memref_slice %arg4[%dma_wait3A_112, %dma_wait3A_113] : memref<2x2048xi32, #tpu.memory_space<vmem>> -> memref<1x2048xi32, #tpu.memory_space<vmem>>
    %dma_wait3A_115 = tpu.memref_squeeze %dma_wait3A_114 : memref<1x2048xi32, #tpu.memory_space<vmem>> -> memref<2048xi32, #tpu.memory_space<vmem>>
    %dma_wait3A_116 = tpu.memref_slice %arg2[%dma_wait3A_111, %mul3A_0] : memref<2x32768xi32, #tpu.memory_space<hbm>> -> memref<1x2048xi32, #tpu.memory_space<hbm>>
    %dma_wait3A_117 = tpu.memref_squeeze %dma_wait3A_116 : memref<1x2048xi32, #tpu.memory_space<hbm>> -> memref<2048xi32, #tpu.memory_space<hbm>>
    %dma_wait3A_118 = arith.constant 0 : i32
    %dma_wait3A_119 = tpu.memref_slice %arg4[%dma_wait3A_112, %dma_wait3A_118] : memref<2x2048xi32, #tpu.memory_space<vmem>> -> memref<1x2048xi32, #tpu.memory_space<vmem>>
    %dma_wait3A_120 = tpu.memref_squeeze %dma_wait3A_119 : memref<1x2048xi32, #tpu.memory_space<vmem>> -> memref<2048xi32, #tpu.memory_space<vmem>>
    %dma_wait3A_121 = tpu.memref_slice %arg2[%dma_wait3A_111, %mul3A_0] : memref<2x32768xi32, #tpu.memory_space<hbm>> -> memref<1x2048xi32, #tpu.memory_space<hbm>>
    %dma_wait3A_122 = tpu.memref_squeeze %dma_wait3A_121 : memref<1x2048xi32, #tpu.memory_space<hbm>> -> memref<2048xi32, #tpu.memory_space<hbm>>
    tpu.wait_dma2 semaphore(%arg9 : memref<!tpu.dma_semaphore, #tpu.memory_space<semaphore_mem>>) src(%dma_wait3A_122 : memref<2048xi32, #tpu.memory_space<hbm>>) dst(%dma_wait3A_120 : memref<2048xi32, #tpu.memory_space<vmem>>)
    %mul3A_123 = arith.constant 512 : i32
    %mul3A_124 = arith.muli %arg0, %mul3A_123 : i32
    %scan3A_125 = arith.constant 0 : i32
    %scan3A_126 = arith.constant 0 : i32
    %scan3A_127 = arith.constant 128 : i32
    %scan3A_128 = arith.addi %scan3A_126, %scan3A_127 : i32
    %scan3A_129 = arith.constant 1 : i32
    scf.for %scan3A_344 = %scan3A_126 to %scan3A_128 step %scan3A_129  : i32 {
      %mul3A_345 = arith.constant 16 : i32
      %mul3A_346 = arith.muli %scan3A_344, %mul3A_345 : i32
      %get3A = arith.constant 0 : i32
      %get3A_347 = arith.index_cast %get3A : i32 to index
      %get3A_348 = arith.index_cast %mul3A_346 : i32 to index
      %get3A_349 = tpu.vector_load %arg4[%get3A_347, %get3A_348] {strides = array<i32>} : memref<2x2048xi32, #tpu.memory_space<vmem>>, vector<1x16xi32>,
      %get3A_350 = vector.shape_cast %get3A_349 : vector<1x16xi32> to vector<16xi32>
      %mul3A_351 = arith.constant 16 : i32
      %mul3A_352 = arith.muli %scan3A_344, %mul3A_351 : i32
      %get3A_353 = arith.constant 1 : i32
      %get3A_354 = arith.index_cast %get3A_353 : i32 to index
      %get3A_355 = arith.index_cast %mul3A_352 : i32 to index
      %get3A_356 = tpu.vector_load %arg4[%get3A_354, %get3A_355] {strides = array<i32>} : memref<2x2048xi32, #tpu.memory_space<vmem>>, vector<1x16xi32>,
      %get3A_357 = vector.shape_cast %get3A_356 : vector<1x16xi32> to vector<16xi32>
      %sub3A = vector.broadcast %mul3A_124 : i32 to vector<16xi32>
      %sub3A_358 = arith.subi %get3A_357, %sub3A : vector<16xi32>
      %ge3A = arith.constant 0 : i32
      %ge3A_359 = vector.broadcast %ge3A : i32 to vector<16xi32>
      %ge3A_360 = arith.cmpi sge, %sub3A_358, %ge3A_359 : vector<16xi32>
      %lt3A = arith.constant 512 : i32
      %lt3A_361 = vector.broadcast %lt3A : i32 to vector<16xi32>
      %lt3A_362 = arith.cmpi slt, %sub3A_358, %lt3A_361 : vector<16xi32>
      %and3A = arith.andi %ge3A_360, %lt3A_362 : vector<16xi1>
      %mul3A_363 = arith.constant 1024 : i32
      %mul3A_364 = vector.broadcast %mul3A_363 : i32 to vector<16xi32>
      %mul3A_365 = arith.muli %sub3A_358, %mul3A_364 : vector<16xi32>
      %add3A_366 = arith.addi %mul3A_365, %get3A_350 : vector<16xi32>
      %add3A_367 = arith.constant 524288 : i32
      %add3A_368 = vector.broadcast %add3A_367 : i32 to vector<16xi32>
      %add3A_369 = arith.addi %add3A_368, %get3A_350 : vector<16xi32>
      %select_n3A = arith.select %and3A, %add3A_366, %add3A_369 : vector<16xi1>, vector<16xi32>
      %shift_right_logical3A = arith.constant 3 : i32
      %shift_right_logical3A_370 = arith.shrui %scan3A_344, %shift_right_logical3A : i32
      %and3A_371 = arith.constant 7 : i32
      %and3A_372 = arith.andi %scan3A_344, %and3A_371 : i32
      %mul3A_373 = arith.constant 16 : i32
      %mul3A_374 = arith.muli %and3A_372, %mul3A_373 : i32
      %swap3A_375 = arith.index_cast %shift_right_logical3A_370 : i32 to index
      %swap3A_376 = arith.index_cast %mul3A_374 : i32 to index
      %swap3A_377 = tpu.vector_load %arg5[%swap3A_375, %swap3A_376] {strides = array<i32>} : memref<16x128xi32, #tpu.memory_space<vmem>>, vector<1x16xi32>,
      %swap3A_378 = vector.shape_cast %swap3A_377 : vector<1x16xi32> to vector<16xi32>
      %swap3A_379 = vector.shape_cast %select_n3A : vector<16xi32> to vector<1x16xi32>
      tpu.vector_store %arg5[%swap3A_375, %swap3A_376], %swap3A_379 {strides = array<i32>} : memref<16x128xi32, #tpu.memory_space<vmem>>, vector<1x16xi32>,
    }
    %scan3A_130 = arith.constant 128 : i32
    %dma_wait3A_131 = tpu.memref_slice %arg8[%add3A_79] : memref<525312xf32, #tpu.memory_space<vmem_shared>> -> memref<8208xf32, #tpu.memory_space<vmem_shared>>
    %dma_wait3A_132 = tpu.memref_slice %arg8[%add3A_79] : memref<525312xf32, #tpu.memory_space<vmem_shared>> -> memref<8208xf32, #tpu.memory_space<vmem_shared>>
    tpu.wait_dma2 semaphore(%arg10 : memref<!tpu.dma_semaphore, #tpu.memory_space<semaphore_mem>>) src(%arg7 : memref<8208xf32, #tpu.memory_space<vmem>>) dst(%dma_wait3A_132 : memref<8208xf32, #tpu.memory_space<vmem_shared>>)
    %dma_wait3A_133 = tpu.memref_slice %arg8[%add3A_85] : memref<525312xf32, #tpu.memory_space<vmem_shared>> -> memref<8208xf32, #tpu.memory_space<vmem_shared>>
    %dma_wait3A_134 = tpu.memref_slice %arg8[%add3A_85] : memref<525312xf32, #tpu.memory_space<vmem_shared>> -> memref<8208xf32, #tpu.memory_space<vmem_shared>>
    tpu.wait_dma2 semaphore(%arg10 : memref<!tpu.dma_semaphore, #tpu.memory_space<semaphore_mem>>) src(%arg7 : memref<8208xf32, #tpu.memory_space<vmem>>) dst(%dma_wait3A_134 : memref<8208xf32, #tpu.memory_space<vmem_shared>>)
    %dma_wait3A_135 = tpu.memref_slice %arg8[%add3A_91] : memref<525312xf32, #tpu.memory_space<vmem_shared>> -> memref<8208xf32, #tpu.memory_space<vmem_shared>>
    %dma_wait3A_136 = tpu.memref_slice %arg8[%add3A_91] : memref<525312xf32, #tpu.memory_space<vmem_shared>> -> memref<8208xf32, #tpu.memory_space<vmem_shared>>
    tpu.wait_dma2 semaphore(%arg10 : memref<!tpu.dma_semaphore, #tpu.memory_space<semaphore_mem>>) src(%arg7 : memref<8208xf32, #tpu.memory_space<vmem>>) dst(%dma_wait3A_136 : memref<8208xf32, #tpu.memory_space<vmem_shared>>)
    %dma_wait3A_137 = tpu.memref_slice %arg8[%add3A_97] : memref<525312xf32, #tpu.memory_space<vmem_shared>> -> memref<8208xf32, #tpu.memory_space<vmem_shared>>
    %dma_wait3A_138 = tpu.memref_slice %arg8[%add3A_97] : memref<525312xf32, #tpu.memory_space<vmem_shared>> -> memref<8208xf32, #tpu.memory_space<vmem_shared>>
    tpu.wait_dma2 semaphore(%arg10 : memref<!tpu.dma_semaphore, #tpu.memory_space<semaphore_mem>>) src(%arg7 : memref<8208xf32, #tpu.memory_space<vmem>>) dst(%dma_wait3A_138 : memref<8208xf32, #tpu.memory_space<vmem_shared>>)
    %barrier3A = arith.constant 0 : index
    tpu.barrier barrier_id(%barrier3A)
    %dma_start3A_139 = arith.constant 0 : i32
    %dma_start3A_140 = arith.constant 0 : i32
    %dma_start3A_141 = tpu.memref_slice %arg5[%dma_start3A_139, %dma_start3A_140] : memref<16x128xi32, #tpu.memory_space<vmem>> -> memref<1x128xi32, #tpu.memory_space<vmem>>
    %dma_start3A_142 = tpu.memref_squeeze %dma_start3A_141 : memref<1x128xi32, #tpu.memory_space<vmem>> -> memref<128xi32, #tpu.memory_space<vmem>>
    %dma_start3A_143 = arith.constant 0 : i32
    %dma_start3A_144 = tpu.memref_slice %arg8[%dma_start3A_143] : memref<525312xf32, #tpu.memory_space<vmem_shared>> -> memref<525312xf32, #tpu.memory_space<vmem_shared>>
    tpu.enqueue_indirect_dma source(%arg6 : memref<128xf32, #tpu.memory_space<vmem>>) target(%dma_start3A_144 : memref<525312xf32, #tpu.memory_space<vmem_shared>>) offsets(%dma_start3A_142 : memref<128xi32, #tpu.memory_space<vmem>>) semaphore(%arg11 : memref<!tpu.dma_semaphore, #tpu.memory_space<semaphore_mem>>) {add = true}
    %dma_start3A_145 = arith.constant 1 : i32
    %dma_start3A_146 = arith.constant 0 : i32
    %dma_start3A_147 = tpu.memref_slice %arg5[%dma_start3A_145, %dma_start3A_146] : memref<16x128xi32, #tpu.memory_space<vmem>> -> memref<1x128xi32, #tpu.memory_space<vmem>>
    %dma_start3A_148 = tpu.memref_squeeze %dma_start3A_147 : memref<1x128xi32, #tpu.memory_space<vmem>> -> memref<128xi32, #tpu.memory_space<vmem>>
    %dma_start3A_149 = arith.constant 0 : i32
    %dma_start3A_150 = tpu.memref_slice %arg8[%dma_start3A_149] : memref<525312xf32, #tpu.memory_space<vmem_shared>> -> memref<525312xf32, #tpu.memory_space<vmem_shared>>
    tpu.enqueue_indirect_dma source(%arg6 : memref<128xf32, #tpu.memory_space<vmem>>) target(%dma_start3A_150 : memref<525312xf32, #tpu.memory_space<vmem_shared>>) offsets(%dma_start3A_148 : memref<128xi32, #tpu.memory_space<vmem>>) semaphore(%arg11 : memref<!tpu.dma_semaphore, #tpu.memory_space<semaphore_mem>>) {add = true}
    %dma_start3A_151 = arith.constant 2 : i32
    %dma_start3A_152 = arith.constant 0 : i32
    %dma_start3A_153 = tpu.memref_slice %arg5[%dma_start3A_151, %dma_start3A_152] : memref<16x128xi32, #tpu.memory_space<vmem>> -> memref<1x128xi32, #tpu.memory_space<vmem>>
    %dma_start3A_154 = tpu.memref_squeeze %dma_start3A_153 : memref<1x128xi32, #tpu.memory_space<vmem>> -> memref<128xi32, #tpu.memory_space<vmem>>
    %dma_start3A_155 = arith.constant 0 : i32
    %dma_start3A_156 = tpu.memref_slice %arg8[%dma_start3A_155] : memref<525312xf32, #tpu.memory_space<vmem_shared>> -> memref<525312xf32, #tpu.memory_space<vmem_shared>>
    tpu.enqueue_indirect_dma source(%arg6 : memref<128xf32, #tpu.memory_space<vmem>>) target(%dma_start3A_156 : memref<525312xf32, #tpu.memory_space<vmem_shared>>) offsets(%dma_start3A_154 : memref<128xi32, #tpu.memory_space<vmem>>) semaphore(%arg11 : memref<!tpu.dma_semaphore, #tpu.memory_space<semaphore_mem>>) {add = true}
    %dma_start3A_157 = arith.constant 3 : i32
    %dma_start3A_158 = arith.constant 0 : i32
    %dma_start3A_159 = tpu.memref_slice %arg5[%dma_start3A_157, %dma_start3A_158] : memref<16x128xi32, #tpu.memory_space<vmem>> -> memref<1x128xi32, #tpu.memory_space<vmem>>
    %dma_start3A_160 = tpu.memref_squeeze %dma_start3A_159 : memref<1x128xi32, #tpu.memory_space<vmem>> -> memref<128xi32, #tpu.memory_space<vmem>>
    %dma_start3A_161 = arith.constant 0 : i32
    %dma_start3A_162 = tpu.memref_slice %arg8[%dma_start3A_161] : memref<525312xf32, #tpu.memory_space<vmem_shared>> -> memref<525312xf32, #tpu.memory_space<vmem_shared>>
    tpu.enqueue_indirect_dma source(%arg6 : memref<128xf32, #tpu.memory_space<vmem>>) target(%dma_start3A_162 : memref<525312xf32, #tpu.memory_space<vmem_shared>>) offsets(%dma_start3A_160 : memref<128xi32, #tpu.memory_space<vmem>>) semaphore(%arg11 : memref<!tpu.dma_semaphore, #tpu.memory_space<semaphore_mem>>) {add = true}
    %dma_start3A_163 = arith.constant 4 : i32
    %dma_start3A_164 = arith.constant 0 : i32
    %dma_start3A_165 = tpu.memref_slice %arg5[%dma_start3A_163, %dma_start3A_164] : memref<16x128xi32, #tpu.memory_space<vmem>> -> memref<1x128xi32, #tpu.memory_space<vmem>>
    %dma_start3A_166 = tpu.memref_squeeze %dma_start3A_165 : memref<1x128xi32, #tpu.memory_space<vmem>> -> memref<128xi32, #tpu.memory_space<vmem>>
    %dma_start3A_167 = arith.constant 0 : i32
    %dma_start3A_168 = tpu.memref_slice %arg8[%dma_start3A_167] : memref<525312xf32, #tpu.memory_space<vmem_shared>> -> memref<525312xf32, #tpu.memory_space<vmem_shared>>
    tpu.enqueue_indirect_dma source(%arg6 : memref<128xf32, #tpu.memory_space<vmem>>) target(%dma_start3A_168 : memref<525312xf32, #tpu.memory_space<vmem_shared>>) offsets(%dma_start3A_166 : memref<128xi32, #tpu.memory_space<vmem>>) semaphore(%arg11 : memref<!tpu.dma_semaphore, #tpu.memory_space<semaphore_mem>>) {add = true}
    %dma_start3A_169 = arith.constant 5 : i32
    %dma_start3A_170 = arith.constant 0 : i32
    %dma_start3A_171 = tpu.memref_slice %arg5[%dma_start3A_169, %dma_start3A_170] : memref<16x128xi32, #tpu.memory_space<vmem>> -> memref<1x128xi32, #tpu.memory_space<vmem>>
    %dma_start3A_172 = tpu.memref_squeeze %dma_start3A_171 : memref<1x128xi32, #tpu.memory_space<vmem>> -> memref<128xi32, #tpu.memory_space<vmem>>
    %dma_start3A_173 = arith.constant 0 : i32
    %dma_start3A_174 = tpu.memref_slice %arg8[%dma_start3A_173] : memref<525312xf32, #tpu.memory_space<vmem_shared>> -> memref<525312xf32, #tpu.memory_space<vmem_shared>>
    tpu.enqueue_indirect_dma source(%arg6 : memref<128xf32, #tpu.memory_space<vmem>>) target(%dma_start3A_174 : memref<525312xf32, #tpu.memory_space<vmem_shared>>) offsets(%dma_start3A_172 : memref<128xi32, #tpu.memory_space<vmem>>) semaphore(%arg11 : memref<!tpu.dma_semaphore, #tpu.memory_space<semaphore_mem>>) {add = true}
    %dma_start3A_175 = arith.constant 6 : i32
    %dma_start3A_176 = arith.constant 0 : i32
    %dma_start3A_177 = tpu.memref_slice %arg5[%dma_start3A_175, %dma_start3A_176] : memref<16x128xi32, #tpu.memory_space<vmem>> -> memref<1x128xi32, #tpu.memory_space<vmem>>
    %dma_start3A_178 = tpu.memref_squeeze %dma_start3A_177 : memref<1x128xi32, #tpu.memory_space<vmem>> -> memref<128xi32, #tpu.memory_space<vmem>>
    %dma_start3A_179 = arith.constant 0 : i32
    %dma_start3A_180 = tpu.memref_slice %arg8[%dma_start3A_179] : memref<525312xf32, #tpu.memory_space<vmem_shared>> -> memref<525312xf32, #tpu.memory_space<vmem_shared>>
    tpu.enqueue_indirect_dma source(%arg6 : memref<128xf32, #tpu.memory_space<vmem>>) target(%dma_start3A_180 : memref<525312xf32, #tpu.memory_space<vmem_shared>>) offsets(%dma_start3A_178 : memref<128xi32, #tpu.memory_space<vmem>>) semaphore(%arg11 : memref<!tpu.dma_semaphore, #tpu.memory_space<semaphore_mem>>) {add = true}
    %dma_start3A_181 = arith.constant 7 : i32
    %dma_start3A_182 = arith.constant 0 : i32
    %dma_start3A_183 = tpu.memref_slice %arg5[%dma_start3A_181, %dma_start3A_182] : memref<16x128xi32, #tpu.memory_space<vmem>> -> memref<1x128xi32, #tpu.memory_space<vmem>>
    %dma_start3A_184 = tpu.memref_squeeze %dma_start3A_183 : memref<1x128xi32, #tpu.memory_space<vmem>> -> memref<128xi32, #tpu.memory_space<vmem>>
    %dma_start3A_185 = arith.constant 0 : i32
    %dma_start3A_186 = tpu.memref_slice %arg8[%dma_start3A_185] : memref<525312xf32, #tpu.memory_space<vmem_shared>> -> memref<525312xf32, #tpu.memory_space<vmem_shared>>
    tpu.enqueue_indirect_dma source(%arg6 : memref<128xf32, #tpu.memory_space<vmem>>) target(%dma_start3A_186 : memref<525312xf32, #tpu.memory_space<vmem_shared>>) offsets(%dma_start3A_184 : memref<128xi32, #tpu.memory_space<vmem>>) semaphore(%arg11 : memref<!tpu.dma_semaphore, #tpu.memory_space<semaphore_mem>>) {add = true}
    %dma_start3A_187 = arith.constant 8 : i32
    %dma_start3A_188 = arith.constant 0 : i32
    %dma_start3A_189 = tpu.memref_slice %arg5[%dma_start3A_187, %dma_start3A_188] : memref<16x128xi32, #tpu.memory_space<vmem>> -> memref<1x128xi32, #tpu.memory_space<vmem>>
    %dma_start3A_190 = tpu.memref_squeeze %dma_start3A_189 : memref<1x128xi32, #tpu.memory_space<vmem>> -> memref<128xi32, #tpu.memory_space<vmem>>
    %dma_start3A_191 = arith.constant 0 : i32
    %dma_start3A_192 = tpu.memref_slice %arg8[%dma_start3A_191] : memref<525312xf32, #tpu.memory_space<vmem_shared>> -> memref<525312xf32, #tpu.memory_space<vmem_shared>>
    tpu.enqueue_indirect_dma source(%arg6 : memref<128xf32, #tpu.memory_space<vmem>>) target(%dma_start3A_192 : memref<525312xf32, #tpu.memory_space<vmem_shared>>) offsets(%dma_start3A_190 : memref<128xi32, #tpu.memory_space<vmem>>) semaphore(%arg11 : memref<!tpu.dma_semaphore, #tpu.memory_space<semaphore_mem>>) {add = true}
    %dma_start3A_193 = arith.constant 9 : i32
    %dma_start3A_194 = arith.constant 0 : i32
    %dma_start3A_195 = tpu.memref_slice %arg5[%dma_start3A_193, %dma_start3A_194] : memref<16x128xi32, #tpu.memory_space<vmem>> -> memref<1x128xi32, #tpu.memory_space<vmem>>
    %dma_start3A_196 = tpu.memref_squeeze %dma_start3A_195 : memref<1x128xi32, #tpu.memory_space<vmem>> -> memref<128xi32, #tpu.memory_space<vmem>>
    %dma_start3A_197 = arith.constant 0 : i32
    %dma_start3A_198 = tpu.memref_slice %arg8[%dma_start3A_197] : memref<525312xf32, #tpu.memory_space<vmem_shared>> -> memref<525312xf32, #tpu.memory_space<vmem_shared>>
    tpu.enqueue_indirect_dma source(%arg6 : memref<128xf32, #tpu.memory_space<vmem>>) target(%dma_start3A_198 : memref<525312xf32, #tpu.memory_space<vmem_shared>>) offsets(%dma_start3A_196 : memref<128xi32, #tpu.memory_space<vmem>>) semaphore(%arg11 : memref<!tpu.dma_semaphore, #tpu.memory_space<semaphore_mem>>) {add = true}
    %dma_start3A_199 = arith.constant 10 : i32
    %dma_start3A_200 = arith.constant 0 : i32
    %dma_start3A_201 = tpu.memref_slice %arg5[%dma_start3A_199, %dma_start3A_200] : memref<16x128xi32, #tpu.memory_space<vmem>> -> memref<1x128xi32, #tpu.memory_space<vmem>>
    %dma_start3A_202 = tpu.memref_squeeze %dma_start3A_201 : memref<1x128xi32, #tpu.memory_space<vmem>> -> memref<128xi32, #tpu.memory_space<vmem>>
    %dma_start3A_203 = arith.constant 0 : i32
    %dma_start3A_204 = tpu.memref_slice %arg8[%dma_start3A_203] : memref<525312xf32, #tpu.memory_space<vmem_shared>> -> memref<525312xf32, #tpu.memory_space<vmem_shared>>
    tpu.enqueue_indirect_dma source(%arg6 : memref<128xf32, #tpu.memory_space<vmem>>) target(%dma_start3A_204 : memref<525312xf32, #tpu.memory_space<vmem_shared>>) offsets(%dma_start3A_202 : memref<128xi32, #tpu.memory_space<vmem>>) semaphore(%arg11 : memref<!tpu.dma_semaphore, #tpu.memory_space<semaphore_mem>>) {add = true}
    %dma_start3A_205 = arith.constant 11 : i32
    %dma_start3A_206 = arith.constant 0 : i32
    %dma_start3A_207 = tpu.memref_slice %arg5[%dma_start3A_205, %dma_start3A_206] : memref<16x128xi32, #tpu.memory_space<vmem>> -> memref<1x128xi32, #tpu.memory_space<vmem>>
    %dma_start3A_208 = tpu.memref_squeeze %dma_start3A_207 : memref<1x128xi32, #tpu.memory_space<vmem>> -> memref<128xi32, #tpu.memory_space<vmem>>
    %dma_start3A_209 = arith.constant 0 : i32
    %dma_start3A_210 = tpu.memref_slice %arg8[%dma_start3A_209] : memref<525312xf32, #tpu.memory_space<vmem_shared>> -> memref<525312xf32, #tpu.memory_space<vmem_shared>>
    tpu.enqueue_indirect_dma source(%arg6 : memref<128xf32, #tpu.memory_space<vmem>>) target(%dma_start3A_210 : memref<525312xf32, #tpu.memory_space<vmem_shared>>) offsets(%dma_start3A_208 : memref<128xi32, #tpu.memory_space<vmem>>) semaphore(%arg11 : memref<!tpu.dma_semaphore, #tpu.memory_space<semaphore_mem>>) {add = true}
    %dma_start3A_211 = arith.constant 12 : i32
    %dma_start3A_212 = arith.constant 0 : i32
    %dma_start3A_213 = tpu.memref_slice %arg5[%dma_start3A_211, %dma_start3A_212] : memref<16x128xi32, #tpu.memory_space<vmem>> -> memref<1x128xi32, #tpu.memory_space<vmem>>
    %dma_start3A_214 = tpu.memref_squeeze %dma_start3A_213 : memref<1x128xi32, #tpu.memory_space<vmem>> -> memref<128xi32, #tpu.memory_space<vmem>>
    %dma_start3A_215 = arith.constant 0 : i32
    %dma_start3A_216 = tpu.memref_slice %arg8[%dma_start3A_215] : memref<525312xf32, #tpu.memory_space<vmem_shared>> -> memref<525312xf32, #tpu.memory_space<vmem_shared>>
    tpu.enqueue_indirect_dma source(%arg6 : memref<128xf32, #tpu.memory_space<vmem>>) target(%dma_start3A_216 : memref<525312xf32, #tpu.memory_space<vmem_shared>>) offsets(%dma_start3A_214 : memref<128xi32, #tpu.memory_space<vmem>>) semaphore(%arg11 : memref<!tpu.dma_semaphore, #tpu.memory_space<semaphore_mem>>) {add = true}
    %dma_start3A_217 = arith.constant 13 : i32
    %dma_start3A_218 = arith.constant 0 : i32
    %dma_start3A_219 = tpu.memref_slice %arg5[%dma_start3A_217, %dma_start3A_218] : memref<16x128xi32, #tpu.memory_space<vmem>> -> memref<1x128xi32, #tpu.memory_space<vmem>>
    %dma_start3A_220 = tpu.memref_squeeze %dma_start3A_219 : memref<1x128xi32, #tpu.memory_space<vmem>> -> memref<128xi32, #tpu.memory_space<vmem>>
    %dma_start3A_221 = arith.constant 0 : i32
    %dma_start3A_222 = tpu.memref_slice %arg8[%dma_start3A_221] : memref<525312xf32, #tpu.memory_space<vmem_shared>> -> memref<525312xf32, #tpu.memory_space<vmem_shared>>
    tpu.enqueue_indirect_dma source(%arg6 : memref<128xf32, #tpu.memory_space<vmem>>) target(%dma_start3A_222 : memref<525312xf32, #tpu.memory_space<vmem_shared>>) offsets(%dma_start3A_220 : memref<128xi32, #tpu.memory_space<vmem>>) semaphore(%arg11 : memref<!tpu.dma_semaphore, #tpu.memory_space<semaphore_mem>>) {add = true}
    %dma_start3A_223 = arith.constant 14 : i32
    %dma_start3A_224 = arith.constant 0 : i32
    %dma_start3A_225 = tpu.memref_slice %arg5[%dma_start3A_223, %dma_start3A_224] : memref<16x128xi32, #tpu.memory_space<vmem>> -> memref<1x128xi32, #tpu.memory_space<vmem>>
    %dma_start3A_226 = tpu.memref_squeeze %dma_start3A_225 : memref<1x128xi32, #tpu.memory_space<vmem>> -> memref<128xi32, #tpu.memory_space<vmem>>
    %dma_start3A_227 = arith.constant 0 : i32
    %dma_start3A_228 = tpu.memref_slice %arg8[%dma_start3A_227] : memref<525312xf32, #tpu.memory_space<vmem_shared>> -> memref<525312xf32, #tpu.memory_space<vmem_shared>>
    tpu.enqueue_indirect_dma source(%arg6 : memref<128xf32, #tpu.memory_space<vmem>>) target(%dma_start3A_228 : memref<525312xf32, #tpu.memory_space<vmem_shared>>) offsets(%dma_start3A_226 : memref<128xi32, #tpu.memory_space<vmem>>) semaphore(%arg11 : memref<!tpu.dma_semaphore, #tpu.memory_space<semaphore_mem>>) {add = true}
    %dma_start3A_229 = arith.constant 15 : i32
    %dma_start3A_230 = arith.constant 0 : i32
    %dma_start3A_231 = tpu.memref_slice %arg5[%dma_start3A_229, %dma_start3A_230] : memref<16x128xi32, #tpu.memory_space<vmem>> -> memref<1x128xi32, #tpu.memory_space<vmem>>
    %dma_start3A_232 = tpu.memref_squeeze %dma_start3A_231 : memref<1x128xi32, #tpu.memory_space<vmem>> -> memref<128xi32, #tpu.memory_space<vmem>>
    %dma_start3A_233 = arith.constant 0 : i32
    %dma_start3A_234 = tpu.memref_slice %arg8[%dma_start3A_233] : memref<525312xf32, #tpu.memory_space<vmem_shared>> -> memref<525312xf32, #tpu.memory_space<vmem_shared>>
    tpu.enqueue_indirect_dma source(%arg6 : memref<128xf32, #tpu.memory_space<vmem>>) target(%dma_start3A_234 : memref<525312xf32, #tpu.memory_space<vmem_shared>>) offsets(%dma_start3A_232 : memref<128xi32, #tpu.memory_space<vmem>>) semaphore(%arg11 : memref<!tpu.dma_semaphore, #tpu.memory_space<semaphore_mem>>) {add = true}
    %dma_wait3A_235 = arith.constant 0 : i32
    %dma_wait3A_236 = arith.constant 0 : i32
    %dma_wait3A_237 = tpu.memref_slice %arg5[%dma_wait3A_235, %dma_wait3A_236] : memref<16x128xi32, #tpu.memory_space<vmem>> -> memref<1x128xi32, #tpu.memory_space<vmem>>
    %dma_wait3A_238 = tpu.memref_squeeze %dma_wait3A_237 : memref<1x128xi32, #tpu.memory_space<vmem>> -> memref<128xi32, #tpu.memory_space<vmem>>
    %dma_wait3A_239 = arith.constant 0 : i32
    %dma_wait3A_240 = tpu.memref_slice %arg8[%dma_wait3A_239] : memref<525312xf32, #tpu.memory_space<vmem_shared>> -> memref<525312xf32, #tpu.memory_space<vmem_shared>>
    tpu.wait_indirect_dma semaphore(%arg11 : memref<!tpu.dma_semaphore, #tpu.memory_space<semaphore_mem>>) src(%arg6 : memref<128xf32, #tpu.memory_space<vmem>>) dst(%dma_wait3A_240 : memref<525312xf32, #tpu.memory_space<vmem_shared>>)
    %dma_wait3A_241 = arith.constant 1 : i32
    %dma_wait3A_242 = arith.constant 0 : i32
    %dma_wait3A_243 = tpu.memref_slice %arg5[%dma_wait3A_241, %dma_wait3A_242] : memref<16x128xi32, #tpu.memory_space<vmem>> -> memref<1x128xi32, #tpu.memory_space<vmem>>
    %dma_wait3A_244 = tpu.memref_squeeze %dma_wait3A_243 : memref<1x128xi32, #tpu.memory_space<vmem>> -> memref<128xi32, #tpu.memory_space<vmem>>
    %dma_wait3A_245 = arith.constant 0 : i32
    %dma_wait3A_246 = tpu.memref_slice %arg8[%dma_wait3A_245] : memref<525312xf32, #tpu.memory_space<vmem_shared>> -> memref<525312xf32, #tpu.memory_space<vmem_shared>>
    tpu.wait_indirect_dma semaphore(%arg11 : memref<!tpu.dma_semaphore, #tpu.memory_space<semaphore_mem>>) src(%arg6 : memref<128xf32, #tpu.memory_space<vmem>>) dst(%dma_wait3A_246 : memref<525312xf32, #tpu.memory_space<vmem_shared>>)
    %dma_wait3A_247 = arith.constant 2 : i32
    %dma_wait3A_248 = arith.constant 0 : i32
    %dma_wait3A_249 = tpu.memref_slice %arg5[%dma_wait3A_247, %dma_wait3A_248] : memref<16x128xi32, #tpu.memory_space<vmem>> -> memref<1x128xi32, #tpu.memory_space<vmem>>
    %dma_wait3A_250 = tpu.memref_squeeze %dma_wait3A_249 : memref<1x128xi32, #tpu.memory_space<vmem>> -> memref<128xi32, #tpu.memory_space<vmem>>
    %dma_wait3A_251 = arith.constant 0 : i32
    %dma_wait3A_252 = tpu.memref_slice %arg8[%dma_wait3A_251] : memref<525312xf32, #tpu.memory_space<vmem_shared>> -> memref<525312xf32, #tpu.memory_space<vmem_shared>>
    tpu.wait_indirect_dma semaphore(%arg11 : memref<!tpu.dma_semaphore, #tpu.memory_space<semaphore_mem>>) src(%arg6 : memref<128xf32, #tpu.memory_space<vmem>>) dst(%dma_wait3A_252 : memref<525312xf32, #tpu.memory_space<vmem_shared>>)
    %dma_wait3A_253 = arith.constant 3 : i32
    %dma_wait3A_254 = arith.constant 0 : i32
    %dma_wait3A_255 = tpu.memref_slice %arg5[%dma_wait3A_253, %dma_wait3A_254] : memref<16x128xi32, #tpu.memory_space<vmem>> -> memref<1x128xi32, #tpu.memory_space<vmem>>
    %dma_wait3A_256 = tpu.memref_squeeze %dma_wait3A_255 : memref<1x128xi32, #tpu.memory_space<vmem>> -> memref<128xi32, #tpu.memory_space<vmem>>
    %dma_wait3A_257 = arith.constant 0 : i32
    %dma_wait3A_258 = tpu.memref_slice %arg8[%dma_wait3A_257] : memref<525312xf32, #tpu.memory_space<vmem_shared>> -> memref<525312xf32, #tpu.memory_space<vmem_shared>>
    tpu.wait_indirect_dma semaphore(%arg11 : memref<!tpu.dma_semaphore, #tpu.memory_space<semaphore_mem>>) src(%arg6 : memref<128xf32, #tpu.memory_space<vmem>>) dst(%dma_wait3A_258 : memref<525312xf32, #tpu.memory_space<vmem_shared>>)
    %dma_wait3A_259 = arith.constant 4 : i32
    %dma_wait3A_260 = arith.constant 0 : i32
    %dma_wait3A_261 = tpu.memref_slice %arg5[%dma_wait3A_259, %dma_wait3A_260] : memref<16x128xi32, #tpu.memory_space<vmem>> -> memref<1x128xi32, #tpu.memory_space<vmem>>
    %dma_wait3A_262 = tpu.memref_squeeze %dma_wait3A_261 : memref<1x128xi32, #tpu.memory_space<vmem>> -> memref<128xi32, #tpu.memory_space<vmem>>
    %dma_wait3A_263 = arith.constant 0 : i32
    %dma_wait3A_264 = tpu.memref_slice %arg8[%dma_wait3A_263] : memref<525312xf32, #tpu.memory_space<vmem_shared>> -> memref<525312xf32, #tpu.memory_space<vmem_shared>>
    tpu.wait_indirect_dma semaphore(%arg11 : memref<!tpu.dma_semaphore, #tpu.memory_space<semaphore_mem>>) src(%arg6 : memref<128xf32, #tpu.memory_space<vmem>>) dst(%dma_wait3A_264 : memref<525312xf32, #tpu.memory_space<vmem_shared>>)
    %dma_wait3A_265 = arith.constant 5 : i32
    %dma_wait3A_266 = arith.constant 0 : i32
    %dma_wait3A_267 = tpu.memref_slice %arg5[%dma_wait3A_265, %dma_wait3A_266] : memref<16x128xi32, #tpu.memory_space<vmem>> -> memref<1x128xi32, #tpu.memory_space<vmem>>
    %dma_wait3A_268 = tpu.memref_squeeze %dma_wait3A_267 : memref<1x128xi32, #tpu.memory_space<vmem>> -> memref<128xi32, #tpu.memory_space<vmem>>
    %dma_wait3A_269 = arith.constant 0 : i32
    %dma_wait3A_270 = tpu.memref_slice %arg8[%dma_wait3A_269] : memref<525312xf32, #tpu.memory_space<vmem_shared>> -> memref<525312xf32, #tpu.memory_space<vmem_shared>>
    tpu.wait_indirect_dma semaphore(%arg11 : memref<!tpu.dma_semaphore, #tpu.memory_space<semaphore_mem>>) src(%arg6 : memref<128xf32, #tpu.memory_space<vmem>>) dst(%dma_wait3A_270 : memref<525312xf32, #tpu.memory_space<vmem_shared>>)
    %dma_wait3A_271 = arith.constant 6 : i32
    %dma_wait3A_272 = arith.constant 0 : i32
    %dma_wait3A_273 = tpu.memref_slice %arg5[%dma_wait3A_271, %dma_wait3A_272] : memref<16x128xi32, #tpu.memory_space<vmem>> -> memref<1x128xi32, #tpu.memory_space<vmem>>
    %dma_wait3A_274 = tpu.memref_squeeze %dma_wait3A_273 : memref<1x128xi32, #tpu.memory_space<vmem>> -> memref<128xi32, #tpu.memory_space<vmem>>
    %dma_wait3A_275 = arith.constant 0 : i32
    %dma_wait3A_276 = tpu.memref_slice %arg8[%dma_wait3A_275] : memref<525312xf32, #tpu.memory_space<vmem_shared>> -> memref<525312xf32, #tpu.memory_space<vmem_shared>>
    tpu.wait_indirect_dma semaphore(%arg11 : memref<!tpu.dma_semaphore, #tpu.memory_space<semaphore_mem>>) src(%arg6 : memref<128xf32, #tpu.memory_space<vmem>>) dst(%dma_wait3A_276 : memref<525312xf32, #tpu.memory_space<vmem_shared>>)
    %dma_wait3A_277 = arith.constant 7 : i32
    %dma_wait3A_278 = arith.constant 0 : i32
    %dma_wait3A_279 = tpu.memref_slice %arg5[%dma_wait3A_277, %dma_wait3A_278] : memref<16x128xi32, #tpu.memory_space<vmem>> -> memref<1x128xi32, #tpu.memory_space<vmem>>
    %dma_wait3A_280 = tpu.memref_squeeze %dma_wait3A_279 : memref<1x128xi32, #tpu.memory_space<vmem>> -> memref<128xi32, #tpu.memory_space<vmem>>
    %dma_wait3A_281 = arith.constant 0 : i32
    %dma_wait3A_282 = tpu.memref_slice %arg8[%dma_wait3A_281] : memref<525312xf32, #tpu.memory_space<vmem_shared>> -> memref<525312xf32, #tpu.memory_space<vmem_shared>>
    tpu.wait_indirect_dma semaphore(%arg11 : memref<!tpu.dma_semaphore, #tpu.memory_space<semaphore_mem>>) src(%arg6 : memref<128xf32, #tpu.memory_space<vmem>>) dst(%dma_wait3A_282 : memref<525312xf32, #tpu.memory_space<vmem_shared>>)
    %dma_wait3A_283 = arith.constant 8 : i32
    %dma_wait3A_284 = arith.constant 0 : i32
    %dma_wait3A_285 = tpu.memref_slice %arg5[%dma_wait3A_283, %dma_wait3A_284] : memref<16x128xi32, #tpu.memory_space<vmem>> -> memref<1x128xi32, #tpu.memory_space<vmem>>
    %dma_wait3A_286 = tpu.memref_squeeze %dma_wait3A_285 : memref<1x128xi32, #tpu.memory_space<vmem>> -> memref<128xi32, #tpu.memory_space<vmem>>
    %dma_wait3A_287 = arith.constant 0 : i32
    %dma_wait3A_288 = tpu.memref_slice %arg8[%dma_wait3A_287] : memref<525312xf32, #tpu.memory_space<vmem_shared>> -> memref<525312xf32, #tpu.memory_space<vmem_shared>>
    tpu.wait_indirect_dma semaphore(%arg11 : memref<!tpu.dma_semaphore, #tpu.memory_space<semaphore_mem>>) src(%arg6 : memref<128xf32, #tpu.memory_space<vmem>>) dst(%dma_wait3A_288 : memref<525312xf32, #tpu.memory_space<vmem_shared>>)
    %dma_wait3A_289 = arith.constant 9 : i32
    %dma_wait3A_290 = arith.constant 0 : i32
    %dma_wait3A_291 = tpu.memref_slice %arg5[%dma_wait3A_289, %dma_wait3A_290] : memref<16x128xi32, #tpu.memory_space<vmem>> -> memref<1x128xi32, #tpu.memory_space<vmem>>
    %dma_wait3A_292 = tpu.memref_squeeze %dma_wait3A_291 : memref<1x128xi32, #tpu.memory_space<vmem>> -> memref<128xi32, #tpu.memory_space<vmem>>
    %dma_wait3A_293 = arith.constant 0 : i32
    %dma_wait3A_294 = tpu.memref_slice %arg8[%dma_wait3A_293] : memref<525312xf32, #tpu.memory_space<vmem_shared>> -> memref<525312xf32, #tpu.memory_space<vmem_shared>>
    tpu.wait_indirect_dma semaphore(%arg11 : memref<!tpu.dma_semaphore, #tpu.memory_space<semaphore_mem>>) src(%arg6 : memref<128xf32, #tpu.memory_space<vmem>>) dst(%dma_wait3A_294 : memref<525312xf32, #tpu.memory_space<vmem_shared>>)
    %dma_wait3A_295 = arith.constant 10 : i32
    %dma_wait3A_296 = arith.constant 0 : i32
    %dma_wait3A_297 = tpu.memref_slice %arg5[%dma_wait3A_295, %dma_wait3A_296] : memref<16x128xi32, #tpu.memory_space<vmem>> -> memref<1x128xi32, #tpu.memory_space<vmem>>
    %dma_wait3A_298 = tpu.memref_squeeze %dma_wait3A_297 : memref<1x128xi32, #tpu.memory_space<vmem>> -> memref<128xi32, #tpu.memory_space<vmem>>
    %dma_wait3A_299 = arith.constant 0 : i32
    %dma_wait3A_300 = tpu.memref_slice %arg8[%dma_wait3A_299] : memref<525312xf32, #tpu.memory_space<vmem_shared>> -> memref<525312xf32, #tpu.memory_space<vmem_shared>>
    tpu.wait_indirect_dma semaphore(%arg11 : memref<!tpu.dma_semaphore, #tpu.memory_space<semaphore_mem>>) src(%arg6 : memref<128xf32, #tpu.memory_space<vmem>>) dst(%dma_wait3A_300 : memref<525312xf32, #tpu.memory_space<vmem_shared>>)
    %dma_wait3A_301 = arith.constant 11 : i32
    %dma_wait3A_302 = arith.constant 0 : i32
    %dma_wait3A_303 = tpu.memref_slice %arg5[%dma_wait3A_301, %dma_wait3A_302] : memref<16x128xi32, #tpu.memory_space<vmem>> -> memref<1x128xi32, #tpu.memory_space<vmem>>
    %dma_wait3A_304 = tpu.memref_squeeze %dma_wait3A_303 : memref<1x128xi32, #tpu.memory_space<vmem>> -> memref<128xi32, #tpu.memory_space<vmem>>
    %dma_wait3A_305 = arith.constant 0 : i32
    %dma_wait3A_306 = tpu.memref_slice %arg8[%dma_wait3A_305] : memref<525312xf32, #tpu.memory_space<vmem_shared>> -> memref<525312xf32, #tpu.memory_space<vmem_shared>>
    tpu.wait_indirect_dma semaphore(%arg11 : memref<!tpu.dma_semaphore, #tpu.memory_space<semaphore_mem>>) src(%arg6 : memref<128xf32, #tpu.memory_space<vmem>>) dst(%dma_wait3A_306 : memref<525312xf32, #tpu.memory_space<vmem_shared>>)
    %dma_wait3A_307 = arith.constant 12 : i32
    %dma_wait3A_308 = arith.constant 0 : i32
    %dma_wait3A_309 = tpu.memref_slice %arg5[%dma_wait3A_307, %dma_wait3A_308] : memref<16x128xi32, #tpu.memory_space<vmem>> -> memref<1x128xi32, #tpu.memory_space<vmem>>
    %dma_wait3A_310 = tpu.memref_squeeze %dma_wait3A_309 : memref<1x128xi32, #tpu.memory_space<vmem>> -> memref<128xi32, #tpu.memory_space<vmem>>
    %dma_wait3A_311 = arith.constant 0 : i32
    %dma_wait3A_312 = tpu.memref_slice %arg8[%dma_wait3A_311] : memref<525312xf32, #tpu.memory_space<vmem_shared>> -> memref<525312xf32, #tpu.memory_space<vmem_shared>>
    tpu.wait_indirect_dma semaphore(%arg11 : memref<!tpu.dma_semaphore, #tpu.memory_space<semaphore_mem>>) src(%arg6 : memref<128xf32, #tpu.memory_space<vmem>>) dst(%dma_wait3A_312 : memref<525312xf32, #tpu.memory_space<vmem_shared>>)
    %dma_wait3A_313 = arith.constant 13 : i32
    %dma_wait3A_314 = arith.constant 0 : i32
    %dma_wait3A_315 = tpu.memref_slice %arg5[%dma_wait3A_313, %dma_wait3A_314] : memref<16x128xi32, #tpu.memory_space<vmem>> -> memref<1x128xi32, #tpu.memory_space<vmem>>
    %dma_wait3A_316 = tpu.memref_squeeze %dma_wait3A_315 : memref<1x128xi32, #tpu.memory_space<vmem>> -> memref<128xi32, #tpu.memory_space<vmem>>
    %dma_wait3A_317 = arith.constant 0 : i32
    %dma_wait3A_318 = tpu.memref_slice %arg8[%dma_wait3A_317] : memref<525312xf32, #tpu.memory_space<vmem_shared>> -> memref<525312xf32, #tpu.memory_space<vmem_shared>>
    tpu.wait_indirect_dma semaphore(%arg11 : memref<!tpu.dma_semaphore, #tpu.memory_space<semaphore_mem>>) src(%arg6 : memref<128xf32, #tpu.memory_space<vmem>>) dst(%dma_wait3A_318 : memref<525312xf32, #tpu.memory_space<vmem_shared>>)
    %dma_wait3A_319 = arith.constant 14 : i32
    %dma_wait3A_320 = arith.constant 0 : i32
    %dma_wait3A_321 = tpu.memref_slice %arg5[%dma_wait3A_319, %dma_wait3A_320] : memref<16x128xi32, #tpu.memory_space<vmem>> -> memref<1x128xi32, #tpu.memory_space<vmem>>
    %dma_wait3A_322 = tpu.memref_squeeze %dma_wait3A_321 : memref<1x128xi32, #tpu.memory_space<vmem>> -> memref<128xi32, #tpu.memory_space<vmem>>
    %dma_wait3A_323 = arith.constant 0 : i32
    %dma_wait3A_324 = tpu.memref_slice %arg8[%dma_wait3A_323] : memref<525312xf32, #tpu.memory_space<vmem_shared>> -> memref<525312xf32, #tpu.memory_space<vmem_shared>>
    tpu.wait_indirect_dma semaphore(%arg11 : memref<!tpu.dma_semaphore, #tpu.memory_space<semaphore_mem>>) src(%arg6 : memref<128xf32, #tpu.memory_space<vmem>>) dst(%dma_wait3A_324 : memref<525312xf32, #tpu.memory_space<vmem_shared>>)
    %dma_wait3A_325 = arith.constant 15 : i32
    %dma_wait3A_326 = arith.constant 0 : i32
    %dma_wait3A_327 = tpu.memref_slice %arg5[%dma_wait3A_325, %dma_wait3A_326] : memref<16x128xi32, #tpu.memory_space<vmem>> -> memref<1x128xi32, #tpu.memory_space<vmem>>
    %dma_wait3A_328 = tpu.memref_squeeze %dma_wait3A_327 : memref<1x128xi32, #tpu.memory_space<vmem>> -> memref<128xi32, #tpu.memory_space<vmem>>
    %dma_wait3A_329 = arith.constant 0 : i32
    %dma_wait3A_330 = tpu.memref_slice %arg8[%dma_wait3A_329] : memref<525312xf32, #tpu.memory_space<vmem_shared>> -> memref<525312xf32, #tpu.memory_space<vmem_shared>>
    tpu.wait_indirect_dma semaphore(%arg11 : memref<!tpu.dma_semaphore, #tpu.memory_space<semaphore_mem>>) src(%arg6 : memref<128xf32, #tpu.memory_space<vmem>>) dst(%dma_wait3A_330 : memref<525312xf32, #tpu.memory_space<vmem_shared>>)
    %barrier3A_331 = arith.constant 0 : index
    tpu.barrier barrier_id(%barrier3A_331)
    %scan3A_332 = arith.constant 0 : i32
    %scan3A_333 = arith.constant 0 : i32
    %scan3A_334 = arith.constant 32 : i32
    %scan3A_335 = arith.addi %scan3A_333, %scan3A_334 : i32
    %scan3A_336 = arith.constant 1 : i32
    scf.for %scan3A_344 = %scan3A_333 to %scan3A_335 step %scan3A_336  : i32 {
      %mul3A_345 = arith.constant 32 : i32
      %mul3A_346 = arith.muli %arg1, %mul3A_345 : i32
      %add3A_347 = arith.addi %mul3A_346, %scan3A_344 : i32
      %mul3A_348 = arith.constant 1024 : i32
      %mul3A_349 = arith.muli %add3A_347, %mul3A_348 : i32
      %add3A_350 = arith.addi %mul3A_124, %add3A_347 : i32
      %dma_start3A_351 = arith.constant 0 : i32
      %dma_start3A_352 = tpu.memref_slice %arg3[%add3A_350, %dma_start3A_351] : memref<1024x1024xf32, #tpu.memory_space<hbm>> -> memref<1x1024xf32, #tpu.memory_space<hbm>>
      %dma_start3A_353 = tpu.memref_squeeze %dma_start3A_352 : memref<1x1024xf32, #tpu.memory_space<hbm>> -> memref<1024xf32, #tpu.memory_space<hbm>>
      %dma_start3A_354 = tpu.memref_slice %arg8[%mul3A_349] : memref<525312xf32, #tpu.memory_space<vmem_shared>> -> memref<1024xf32, #tpu.memory_space<vmem_shared>>
      tpu.enqueue_dma source(%dma_start3A_354 : memref<1024xf32, #tpu.memory_space<vmem_shared>>) target(%dma_start3A_353 : memref<1024xf32, #tpu.memory_space<hbm>>) target_semaphore(%arg12 : memref<!tpu.dma_semaphore, #tpu.memory_space<semaphore_mem>>)
    }
    %scan3A_337 = arith.constant 32 : i32
    %scan3A_338 = arith.constant 0 : i32
    %scan3A_339 = arith.constant 0 : i32
    %scan3A_340 = arith.constant 32 : i32
    %scan3A_341 = arith.addi %scan3A_339, %scan3A_340 : i32
    %scan3A_342 = arith.constant 1 : i32
    scf.for %scan3A_344 = %scan3A_339 to %scan3A_341 step %scan3A_342  : i32 {
      %dma_wait3A_345 = arith.constant 0 : i32
      %dma_wait3A_346 = tpu.memref_slice %arg3[%mul3A_124, %dma_wait3A_345] : memref<1024x1024xf32, #tpu.memory_space<hbm>> -> memref<1x1024xf32, #tpu.memory_space<hbm>>
      %dma_wait3A_347 = tpu.memref_squeeze %dma_wait3A_346 : memref<1x1024xf32, #tpu.memory_space<hbm>> -> memref<1024xf32, #tpu.memory_space<hbm>>
      %dma_wait3A_348 = arith.constant 0 : i32
      %dma_wait3A_349 = tpu.memref_slice %arg8[%dma_wait3A_348] : memref<525312xf32, #tpu.memory_space<vmem_shared>> -> memref<1024xf32, #tpu.memory_space<vmem_shared>>
      tpu.wait_dma2 semaphore(%arg12 : memref<!tpu.dma_semaphore, #tpu.memory_space<semaphore_mem>>) src(%dma_wait3A_349 : memref<1024xf32, #tpu.memory_space<vmem_shared>>) dst(%dma_wait3A_347 : memref<1024xf32, #tpu.memory_space<hbm>>)
    }
    %scan3A_343 = arith.constant 32 : i32
    return
  }
}

module attributes {stable_mosaic.version = 14 : i64} {
  func.func @_dense_body(%arg0: memref<1024x1024xf32, #tpu.memory_space<vmem>>, %arg1: memref<1024x128xf32, #tpu.memory_space<vmem>>, %arg2: memref<128x128xf32, #tpu.memory_space<vmem>>, %arg3: memref<128xf32, #tpu.memory_space<vmem>>, %arg4: memref<128x128xf32, #tpu.memory_space<vmem>>, %arg5: memref<128xf32, #tpu.memory_space<vmem>>, %arg6: memref<128x128xf32, #tpu.memory_space<vmem>>, %arg7: memref<128xf32, #tpu.memory_space<vmem>>, %arg8: memref<128x128xf32, #tpu.memory_space<vmem>>, %arg9: memref<128xf32, #tpu.memory_space<vmem>>, %arg10: memref<128x128xf32, #tpu.memory_space<vmem>>, %arg11: memref<128xf32, #tpu.memory_space<vmem>>, %arg12: memref<256x1xf32, #tpu.memory_space<vmem>>, %arg13: memref<1xf32, #tpu.memory_space<vmem>>, %arg14: memref<1024x1024xf32, #tpu.memory_space<vmem>>) attributes {dimension_semantics = [], scalar_prefetch = 0 : i64, scratch_operands = 0 : i64, tpu.core_type = #tpu.core_type<tc>} {
    %get3A = arith.constant 0 : index
    %get3A_0 = arith.constant 0 : index
    %get3A_1 = vector.load %arg0[%get3A, %get3A_0] : memref<1024x1024xf32, #tpu.memory_space<vmem>>, vector<1024x1024xf32>
    %convert_element_type3A = arith.truncf %get3A_1 : vector<1024x1024xf32> to vector<1024x1024xbf16>
    %get3A_2 = arith.constant 0 : index
    %get3A_3 = arith.constant 0 : index
    %get3A_4 = vector.load %arg1[%get3A_2, %get3A_3] : memref<1024x128xf32, #tpu.memory_space<vmem>>, vector<1024x128xf32>
    %convert_element_type3A_5 = arith.truncf %get3A_4 : vector<1024x128xf32> to vector<1024x128xbf16>
    %convert_element_type3A_6 = arith.extf %convert_element_type3A_5 : vector<1024x128xbf16> to vector<1024x128xf32>
    %sub3A = arith.subf %get3A_4, %convert_element_type3A_6 : vector<1024x128xf32>
    %convert_element_type3A_7 = arith.truncf %sub3A : vector<1024x128xf32> to vector<1024x128xbf16>
    %convert_element_type3A_8 = arith.extf %convert_element_type3A_7 : vector<1024x128xbf16> to vector<1024x128xf32>
    %sub3A_9 = arith.subf %sub3A, %convert_element_type3A_8 : vector<1024x128xf32>
    %convert_element_type3A_10 = arith.truncf %sub3A_9 : vector<1024x128xf32> to vector<1024x128xbf16>
    %dot_general3A = arith.constant dense<0.000000e+00> : vector<1024x128xf32>
    %dot_general3A_11 = tpu.matmul %convert_element_type3A, %convert_element_type3A_5, %dot_general3A {dimension_numbers = #tpu.dot_dimension_numbers<[1], [0], [0], [1], [0, 0, 1, 1], [], []>, transpose_lhs_hint = false} : vector<1024x1024xbf16>, vector<1024x128xbf16>, vector<1024x128xf32> -> vector<1024x128xf32>
    %dot_general3A_12 = arith.constant dense<0.000000e+00> : vector<1024x128xf32>
    %dot_general3A_13 = tpu.matmul %convert_element_type3A, %convert_element_type3A_7, %dot_general3A_12 {dimension_numbers = #tpu.dot_dimension_numbers<[1], [0], [0], [1], [0, 0, 1, 1], [], []>, transpose_lhs_hint = false} : vector<1024x1024xbf16>, vector<1024x128xbf16>, vector<1024x128xf32> -> vector<1024x128xf32>
    %add3A = arith.addf %dot_general3A_11, %dot_general3A_13 : vector<1024x128xf32>
    %dot_general3A_14 = arith.constant dense<0.000000e+00> : vector<1024x128xf32>
    %dot_general3A_15 = tpu.matmul %convert_element_type3A, %convert_element_type3A_10, %dot_general3A_14 {dimension_numbers = #tpu.dot_dimension_numbers<[1], [0], [0], [1], [0, 0, 1, 1], [], []>, transpose_lhs_hint = false} : vector<1024x1024xbf16>, vector<1024x128xbf16>, vector<1024x128xf32> -> vector<1024x128xf32>
    %add3A_16 = arith.addf %add3A, %dot_general3A_15 : vector<1024x128xf32>
    %add3A_17 = arith.addf %get3A_4, %add3A_16 : vector<1024x128xf32>
    %get3A_18 = arith.constant 0 : index
    %get3A_19 = arith.constant 0 : index
    %get3A_20 = vector.load %arg2[%get3A_18, %get3A_19] : memref<128x128xf32, #tpu.memory_space<vmem>>, vector<128x128xf32>
    %dot_general3A_21 = arith.constant dense<0.000000e+00> : vector<1024x128xf32>
    %dot_general3A_22 = tpu.matmul %add3A_17, %get3A_20, %dot_general3A_21 {dimension_numbers = #tpu.dot_dimension_numbers<[1], [0], [0], [1], [0, 0, 1, 1], [], []>, transpose_lhs_hint = false} : vector<1024x128xf32>, vector<128x128xf32>, vector<1024x128xf32> -> vector<1024x128xf32>
    %get3A_23 = arith.constant 0 : index
    %get3A_24 = vector.load %arg3[%get3A_23] : memref<128xf32, #tpu.memory_space<vmem>>, vector<128xf32>
    %broadcast_in_dim3A = vector.shape_cast %get3A_24 : vector<128xf32> to vector<1x128xf32>
    %add3A_25 = vector.broadcast %broadcast_in_dim3A : vector<1x128xf32> to vector<1024x128xf32>
    %add3A_26 = arith.addf %dot_general3A_22, %add3A_25 : vector<1024x128xf32>
    %max3A = arith.constant 0.000000e+00 : f32
    %max3A_27 = vector.broadcast %max3A : f32 to vector<1024x128xf32>
    %max3A_28 = arith.maximumf %add3A_26, %max3A_27 : vector<1024x128xf32>
    %get3A_29 = arith.constant 0 : index
    %get3A_30 = arith.constant 0 : index
    %get3A_31 = vector.load %arg4[%get3A_29, %get3A_30] : memref<128x128xf32, #tpu.memory_space<vmem>>, vector<128x128xf32>
    %dot_general3A_32 = arith.constant dense<0.000000e+00> : vector<1024x128xf32>
    %dot_general3A_33 = tpu.matmul %max3A_28, %get3A_31, %dot_general3A_32 {dimension_numbers = #tpu.dot_dimension_numbers<[1], [0], [0], [1], [0, 0, 1, 1], [], []>, transpose_lhs_hint = false} : vector<1024x128xf32>, vector<128x128xf32>, vector<1024x128xf32> -> vector<1024x128xf32>
    %get3A_34 = arith.constant 0 : index
    %get3A_35 = vector.load %arg5[%get3A_34] : memref<128xf32, #tpu.memory_space<vmem>>, vector<128xf32>
    %broadcast_in_dim3A_36 = vector.shape_cast %get3A_35 : vector<128xf32> to vector<1x128xf32>
    %add3A_37 = vector.broadcast %broadcast_in_dim3A_36 : vector<1x128xf32> to vector<1024x128xf32>
    %add3A_38 = arith.addf %dot_general3A_33, %add3A_37 : vector<1024x128xf32>
    %max3A_39 = arith.constant 0.000000e+00 : f32
    %max3A_40 = vector.broadcast %max3A_39 : f32 to vector<1024x128xf32>
    %max3A_41 = arith.maximumf %add3A_38, %max3A_40 : vector<1024x128xf32>
    %convert_element_type3A_42 = arith.truncf %max3A_41 : vector<1024x128xf32> to vector<1024x128xbf16>
    %convert_element_type3A_43 = arith.extf %convert_element_type3A_42 : vector<1024x128xbf16> to vector<1024x128xf32>
    %sub3A_44 = arith.subf %max3A_41, %convert_element_type3A_43 : vector<1024x128xf32>
    %convert_element_type3A_45 = arith.truncf %sub3A_44 : vector<1024x128xf32> to vector<1024x128xbf16>
    %convert_element_type3A_46 = arith.extf %convert_element_type3A_45 : vector<1024x128xbf16> to vector<1024x128xf32>
    %sub3A_47 = arith.subf %sub3A_44, %convert_element_type3A_46 : vector<1024x128xf32>
    %convert_element_type3A_48 = arith.truncf %sub3A_47 : vector<1024x128xf32> to vector<1024x128xbf16>
    %dot_general3A_49 = arith.constant dense<0.000000e+00> : vector<1024x128xf32>
    %dot_general3A_50 = tpu.matmul %convert_element_type3A, %convert_element_type3A_42, %dot_general3A_49 {dimension_numbers = #tpu.dot_dimension_numbers<[1], [0], [0], [1], [0, 0, 1, 1], [], []>, transpose_lhs_hint = false} : vector<1024x1024xbf16>, vector<1024x128xbf16>, vector<1024x128xf32> -> vector<1024x128xf32>
    %dot_general3A_51 = arith.constant dense<0.000000e+00> : vector<1024x128xf32>
    %dot_general3A_52 = tpu.matmul %convert_element_type3A, %convert_element_type3A_45, %dot_general3A_51 {dimension_numbers = #tpu.dot_dimension_numbers<[1], [0], [0], [1], [0, 0, 1, 1], [], []>, transpose_lhs_hint = false} : vector<1024x1024xbf16>, vector<1024x128xbf16>, vector<1024x128xf32> -> vector<1024x128xf32>
    %add3A_53 = arith.addf %dot_general3A_50, %dot_general3A_52 : vector<1024x128xf32>
    %dot_general3A_54 = arith.constant dense<0.000000e+00> : vector<1024x128xf32>
    %dot_general3A_55 = tpu.matmul %convert_element_type3A, %convert_element_type3A_48, %dot_general3A_54 {dimension_numbers = #tpu.dot_dimension_numbers<[1], [0], [0], [1], [0, 0, 1, 1], [], []>, transpose_lhs_hint = false} : vector<1024x1024xbf16>, vector<1024x128xbf16>, vector<1024x128xf32> -> vector<1024x128xf32>
    %add3A_56 = arith.addf %add3A_53, %dot_general3A_55 : vector<1024x128xf32>
    %add3A_57 = arith.addf %max3A_41, %add3A_56 : vector<1024x128xf32>
    %get3A_58 = arith.constant 0 : index
    %get3A_59 = arith.constant 0 : index
    %get3A_60 = vector.load %arg6[%get3A_58, %get3A_59] : memref<128x128xf32, #tpu.memory_space<vmem>>, vector<128x128xf32>
    %dot_general3A_61 = arith.constant dense<0.000000e+00> : vector<1024x128xf32>
    %dot_general3A_62 = tpu.matmul %add3A_57, %get3A_60, %dot_general3A_61 {dimension_numbers = #tpu.dot_dimension_numbers<[1], [0], [0], [1], [0, 0, 1, 1], [], []>, transpose_lhs_hint = false} : vector<1024x128xf32>, vector<128x128xf32>, vector<1024x128xf32> -> vector<1024x128xf32>
    %get3A_63 = arith.constant 0 : index
    %get3A_64 = vector.load %arg7[%get3A_63] : memref<128xf32, #tpu.memory_space<vmem>>, vector<128xf32>
    %broadcast_in_dim3A_65 = vector.shape_cast %get3A_64 : vector<128xf32> to vector<1x128xf32>
    %add3A_66 = vector.broadcast %broadcast_in_dim3A_65 : vector<1x128xf32> to vector<1024x128xf32>
    %add3A_67 = arith.addf %dot_general3A_62, %add3A_66 : vector<1024x128xf32>
    %max3A_68 = arith.constant 0.000000e+00 : f32
    %max3A_69 = vector.broadcast %max3A_68 : f32 to vector<1024x128xf32>
    %max3A_70 = arith.maximumf %add3A_67, %max3A_69 : vector<1024x128xf32>
    %get3A_71 = arith.constant 0 : index
    %get3A_72 = arith.constant 0 : index
    %get3A_73 = vector.load %arg8[%get3A_71, %get3A_72] : memref<128x128xf32, #tpu.memory_space<vmem>>, vector<128x128xf32>
    %dot_general3A_74 = arith.constant dense<0.000000e+00> : vector<1024x128xf32>
    %dot_general3A_75 = tpu.matmul %max3A_70, %get3A_73, %dot_general3A_74 {dimension_numbers = #tpu.dot_dimension_numbers<[1], [0], [0], [1], [0, 0, 1, 1], [], []>, transpose_lhs_hint = false} : vector<1024x128xf32>, vector<128x128xf32>, vector<1024x128xf32> -> vector<1024x128xf32>
    %get3A_76 = arith.constant 0 : index
    %get3A_77 = vector.load %arg9[%get3A_76] : memref<128xf32, #tpu.memory_space<vmem>>, vector<128xf32>
    %broadcast_in_dim3A_78 = vector.shape_cast %get3A_77 : vector<128xf32> to vector<1x128xf32>
    %add3A_79 = vector.broadcast %broadcast_in_dim3A_78 : vector<1x128xf32> to vector<1024x128xf32>
    %add3A_80 = arith.addf %dot_general3A_75, %add3A_79 : vector<1024x128xf32>
    %max3A_81 = arith.constant 0.000000e+00 : f32
    %max3A_82 = vector.broadcast %max3A_81 : f32 to vector<1024x128xf32>
    %max3A_83 = arith.maximumf %add3A_80, %max3A_82 : vector<1024x128xf32>
    %get3A_84 = arith.constant 0 : index
    %get3A_85 = arith.constant 0 : index
    %get3A_86 = vector.load %arg10[%get3A_84, %get3A_85] : memref<128x128xf32, #tpu.memory_space<vmem>>, vector<128x128xf32>
    %dot_general3A_87 = arith.constant dense<0.000000e+00> : vector<1024x128xf32>
    %dot_general3A_88 = tpu.matmul %max3A_83, %get3A_86, %dot_general3A_87 {dimension_numbers = #tpu.dot_dimension_numbers<[1], [0], [0], [1], [0, 0, 1, 1], [], []>, transpose_lhs_hint = false} : vector<1024x128xf32>, vector<128x128xf32>, vector<1024x128xf32> -> vector<1024x128xf32>
    %get3A_89 = arith.constant 0 : index
    %get3A_90 = vector.load %arg11[%get3A_89] : memref<128xf32, #tpu.memory_space<vmem>>, vector<128xf32>
    %broadcast_in_dim3A_91 = vector.shape_cast %get3A_90 : vector<128xf32> to vector<1x128xf32>
    %add3A_92 = vector.broadcast %broadcast_in_dim3A_91 : vector<1x128xf32> to vector<1024x128xf32>
    %add3A_93 = arith.addf %dot_general3A_88, %add3A_92 : vector<1024x128xf32>
    %get3A_94 = arith.constant 0 : index
    %get3A_95 = arith.constant 0 : index
    %get3A_96 = vector.load %arg12[%get3A_94, %get3A_95] : memref<256x1xf32, #tpu.memory_space<vmem>>, vector<256x1xf32>
    %slice3A = vector.extract_strided_slice %get3A_96 {offsets = [0, 0], sizes = [128, 1], strides = [1, 1]} : vector<256x1xf32> to vector<128x1xf32>
    %dot_general3A_97 = arith.constant dense<0.000000e+00> : vector<1024x1xf32>
    %dot_general3A_98 = tpu.matmul %add3A_93, %slice3A, %dot_general3A_97 {dimension_numbers = #tpu.dot_dimension_numbers<[1], [0], [0], [1], [0, 0, 1, 1], [], []>, transpose_lhs_hint = false} : vector<1024x128xf32>, vector<128x1xf32>, vector<1024x1xf32> -> vector<1024x1xf32>
    %slice3A_99 = vector.extract_strided_slice %get3A_96 {offsets = [128, 0], sizes = [128, 1], strides = [1, 1]} : vector<256x1xf32> to vector<128x1xf32>
    %dot_general3A_100 = arith.constant dense<0.000000e+00> : vector<1x1024xf32>
    %dot_general3A_101 = tpu.matmul %slice3A_99, %add3A_93, %dot_general3A_100 {dimension_numbers = #tpu.dot_dimension_numbers<[0], [1], [1], [0], [0, 1, 1, 0], [], []>, transpose_lhs_hint = false} : vector<128x1xf32>, vector<1024x128xf32>, vector<1x1024xf32> -> vector<1x1024xf32>
    %add3A_102 = vector.broadcast %dot_general3A_98 : vector<1024x1xf32> to vector<1024x1024xf32>
    %add3A_103 = vector.broadcast %dot_general3A_101 : vector<1x1024xf32> to vector<1024x1024xf32>
    %add3A_104 = arith.addf %add3A_102, %add3A_103 : vector<1024x1024xf32>
    %get3A_105 = arith.constant 0 : index
    %get3A_106 = vector.load %arg13[%get3A_105] : memref<1xf32, #tpu.memory_space<vmem>>, vector<1xf32>
    %broadcast_in_dim3A_107 = vector.shape_cast %get3A_106 : vector<1xf32> to vector<1x1xf32>
    %add3A_108 = vector.broadcast %broadcast_in_dim3A_107 : vector<1x1xf32> to vector<1024x1024xf32>
    %add3A_109 = arith.addf %add3A_104, %add3A_108 : vector<1024x1024xf32>
    %swap3A = arith.constant 0 : index
    %swap3A_110 = arith.constant 0 : index
    %swap3A_111 = vector.load %arg14[%swap3A, %swap3A_110] : memref<1024x1024xf32, #tpu.memory_space<vmem>>, vector<1024x1024xf32>
    tpu.vector_store %arg14[%swap3A, %swap3A_110], %add3A_109 {strides = array<i32>} : memref<1024x1024xf32, #tpu.memory_space<vmem>>, vector<1024x1024xf32>,
    return
  }
}

</mosaic_0001>

<sc_bundles>
// kernel: kernel.4.cloned.1.call-start
scs
__scs_entry_jumppad:
0x0: {  	(pc) =	sbr.rel $0x88, $3  }
0x1: {  	(tag) =	ssettag $0x0;
	lr =	simm.s32 $0x1  }
0x2: {  	[smem:$0x3F93] =	sst lr;
	_ =	strace $0xD0000000  }
0x3: {  	_ = 	snop  }
0x4: {  	_ = 	snop  }
0x5: {  	_ = 	snop  }
0x6: {  	_ = 	snop  }
0x7: {  	_ = 	snop  }
__scs_overlays_trampoline_lowered:
0x8: {  	[smem:$0x3FA2] =	sst s0  }
0x9: {  	[smem:$0x3FA3] =	sst s1  }
0xa: {  	[smem:$0x3FA4] =	sst s2  }
0xb: {  	[smem:$0x3FA5] =	sst s3  }
0xc: {  	[smem:$0x3FA6] =	sst s4  }
0xd: {  	[smem:$0x3FA7] =	sst s5  }
0xe: {  	[smem:$0x3FA8] =	sst s6  }
0xf: {  	[smem:$0x3FA9] =	sst s7  }
0x10: {  	[smem:$0x3FAA] =	sst s8  }
0x11: {  	[smem:$0x3FAB] =	sst s9;
	s0 =	simm.s32 @!p0 $0x0  }
0x12: {  	s1 =	sld [smem:$0x3F91];
	s0 =	simm.s32 @p0 $0x1  }
0x13: {  	[smem:$0x3FAC] =	sst s0;
	s0 =	simm.s32 @!p1 $0x0  }
0x14: {  	s2 =	sld [smem:$0x3F90];
	s0 =	simm.s32 @p1 $0x1  }
0x15: {  	[smem:$0x3FAD] =	sst s0;
	s0 =	simm.s32 @!p2 $0x0  }
0x16: {  	s3 =	sld [smem:$0x3FDB];
	s0 =	simm.s32 @p2 $0x1  }
0x17: {  	s4 =	simm.s32 $0x1BF5;
	[smem:$0x3FAF] =	sst s0  }
0x18: {  	s0 =	sld [smem:$0x3F92];
	_ =	swait.ge [sflag:s4], $0x0  }
0x19: {  	s7 =	sld [smem:$0x3F93]  }
0x1a: {  	s8 =	sadd.s32 $0xFFFFE003, lr  }
0x1b: {  	s9 =	sadd.s32 $0xFFFFFEF7, lr;
	s5 =	simm.s32 $0xFFFFFFFF;
	p2 =	slt.u32 s8, $0xFFFFF086  }
0x1c: {  	p1 =	slt.u32 s9, $0xF7A;
	s5 =	simm.s32 @!p2 $0x0  }
0x1d: {  	s5 =	simm.s32 @p1 $0x1;
	p0 =	seq.s32 s7, s2  }
0x1e: {  	s7 =	smul.u32 @!p0 $0xF7A, s2;
	p2 =	seq.s32 @!p0 s5, $0x0  }
0x1f: {  	s9 =	smul.u32 $0xF7A, s1;
	s8 =	simm.s32 @!p0 $0x1BF5;
	p2 =	por !p2, p0  }
0x20: {  	[sflag:s8] =	ssyncset.s32 @!p0 $0xFFFFF086;
	s6 =	sadd.s32 @!p0 s3, s7;
	s7 =	simm.s32 @!p0 $0x108  }
0x21: {  	s3 =	sadd.s32 s3, s9;
	s6 =	sadd.s32 @!p0 $0x88, s6;
	s7 =	simm.s32 @p2 $0x1082  }
0x22: {  	[simem:s7], [sflag:s8] =	dma.local @!p0 [hbm:s6], $0xF7A  }
0x23: {  	s9 =	sor.u32 $0xD0000000, s2;
	s6 =	simm.s32 $0x108;
	_ =	swait.ge @!p0 [sflag:s8], $0x0  }
0x24: {  	s3 =	sadd.s32 $0x88, s3;
	s6 =	simm.s32 @!p1 $0x1082;
	[sflag:s4] =	ssyncset.s32 $0xFFFFF086  }
0x25: {  	[simem:s6], [sflag:s4] =	dma.local [hbm:s3], $0xF7A  }
0x26: {  	[smem:$0x3F93] =	sst s1;
	(tag) =	ssettag s2;
	_ =	strace s9  }
0x27: {  	s1 =	sld [smem:$0x3FA3]  }
0x28: {  	s2 =	sld [smem:$0x3FA4]  }
0x29: {  	s4 =	sld [smem:$0x3FA6]  }
0x2a: {  	p0 =	seq.s32 s5, $0x0;
	s5 =	sld [smem:$0x3FA7]  }
0x2b: {  	s6 =	sld [smem:$0x3FA8]  }
0x2c: {  	s7 =	sld [smem:$0x3FA9]  }
0x2d: {  	s3 =	simm.s32 $0x108;
	s8 =	sld [smem:$0x3FAA]  }
0x2e: {  	s3 =	simm.s32 @!p0 $0x1082;
	s9 =	sld [smem:$0x3FAB]  }
0x2f: {  	lr =	sadd.s32 s0, s3;
	s0 =	sld [smem:$0x3FA2]  }
0x30: {  	s3 =	sld [smem:$0x3FA5]  }
0x31: {  	[smem:$0x3FAE] =	sst s10  }
0x32: {  	s10 =	sld [smem:$0x3FAC];
	_ =	sdelay $0x3  }
0x33: {  	p0 =	seq.s32 s10, $0x1;
	s10 =	sld [smem:$0x3FAE];
	_ =	sdelay $0x3  }
0x34: {  	[smem:$0x3FAE] =	sst s10  }
0x35: {  	s10 =	sld [smem:$0x3FAD];
	_ =	sdelay $0x3  }
0x36: {  	p1 =	seq.s32 s10, $0x1;
	s10 =	sld [smem:$0x3FAE];
	_ =	sdelay $0x3  }
0x37: {  	[smem:$0x3FAE] =	sst s10  }
0x38: {  	s10 =	sld [smem:$0x3FAF]  }
0x39: {  	_ = 	snop;
	(pc) =	sbr.ind lr, $3  }
0x3a: {  	_ = 	snop  }
0x3b: {  	_ = 	snop  }
0x3c: {  	p2 =	seq.s32 s10, $0x1;
	s10 =	sld [smem:$0x3FAE]  }
0x3d: {  	_ =	shalt  }
0x3e: {  	_ =	shalt  }
0x3f: {  	_ =	shalt  }
0x40: {  	_ =	shalt  }
0x41: {  	_ =	shalt  }
0x42: {  	_ =	shalt  }
0x43: {  	_ =	shalt  }
0x44: {  	_ =	shalt  }
0x45: {  	_ =	shalt  }
0x46: {  	_ =	shalt  }
0x47: {  	_ =	shalt  }
0x48: {  	_ =	shalt  }
0x49: {  	_ =	shalt  }
0x4a: {  	_ =	shalt  }
0x4b: {  	_ =	shalt  }
0x4c: {  	_ =	shalt  }
0x4d: {  	_ =	shalt  }
0x4e: {  	_ =	shalt  }
0x4f: {  	_ =	shalt  }
0x50: {  	_ =	shalt  }
0x51: {  	_ =	shalt  }
0x52: {  	_ =	shalt  }
0x53: {  	_ =	shalt  }
0x54: {  	_ =	shalt  }
0x55: {  	_ =	shalt  }
0x56: {  	_ =	shalt  }
0x57: {  	_ =	shalt  }
0x58: {  	_ =	shalt  }
0x59: {  	_ =	shalt  }
0x5a: {  	_ =	shalt  }
0x5b: {  	_ =	shalt  }
0x5c: {  	_ =	shalt  }
0x5d: {  	_ =	shalt  }
0x5e: {  	_ =	shalt  }
0x5f: {  	_ =	shalt  }
0x60: {  	_ =	shalt  }
0x61: {  	_ =	shalt  }
0x62: {  	_ =	shalt  }
0x63: {  	_ =	shalt  }
0x64: {  	_ =	shalt  }
0x65: {  	_ =	shalt  }
0x66: {  	_ =	shalt  }
0x67: {  	_ =	shalt  }
0x68: {  	_ =	shalt  }
0x69: {  	_ =	shalt  }
0x6a: {  	_ =	shalt  }
0x6b: {  	_ =	shalt  }
0x6c: {  	_ =	shalt  }
0x6d: {  	_ =	shalt  }
0x6e: {  	_ =	shalt  }
0x6f: {  	_ =	shalt  }
0x70: {  	_ =	shalt  }
0x71: {  	_ =	shalt  }
0x72: {  	_ =	shalt  }
0x73: {  	_ =	shalt  }
0x74: {  	_ =	shalt  }
0x75: {  	_ =	shalt  }
0x76: {  	_ =	shalt  }
0x77: {  	_ =	shalt  }
0x78: {  	_ =	shalt  }
0x79: {  	_ =	shalt  }
0x7a: {  	_ =	shalt  }
0x7b: {  	_ =	shalt  }
0x7c: {  	_ =	shalt  }
0x7d: {  	_ =	shalt  }
0x7e: {  	_ =	shalt  }
0x7f: {  	_ =	shalt  }
0x80: {  	_ =	shalt  }
0x81: {  	_ =	shalt  }
0x82: {  	_ =	shalt  }
0x83: {  	_ =	shalt  }
0x84: {  	_ =	shalt  }
0x85: {  	_ =	shalt  }
0x86: {  	_ =	shalt  }
0x87: {  	_ =	shalt  }
.Lfunc_end0:
.L_simem_size_0:
called_computation_lowered:
.L_overlay_start_0:
0x88: {  	s2 =	sld [smem:$0x3FD9]  }
0x89: {  	s3 =	sld [smem:$0x3FFE];
	_ =	sdelay $0x1  }
0x8a: {  	s1 =	srdreg.scid  }
0x8b: {  	s0 =	sand.u32 $0x1, s1  }
0x8c: {  	s18 =	sshll.u32 s0, $0xA;
	s2 =	sadd.s32 s3, s2  }
0x8d: {  	s2 =	sadd.s32 s2, s18  }
0x8e: {  	[smem:$0x3FBA] =	sst s2  }
0x8f: {  	_ = 	snop  }
0x90: {  	s2 =	sld [smem:$0x3FC8]  }
0x91: {  	s19 =	sld [smem:$0x3FD0];
	(tm) =	ssettm $0x1  }
0x92: {  	s4 =	sld [smem:$0x3FFB];
	_ =	sdelay $0x3  }
0x93: {  	_ =	strace s4  }
0x94: {  	s4 =	sld [smem:$0x3FFC];
	_ =	sdelay $0x3  }
0x95: {  	_ =	strace s4  }
0x96: {  	s4 =	sld [smem:$0x3FFD];
	_ =	sdelay $0x3  }
0x97: {  	_ =	strace s4  }
0x98: {  	_ =	strace $0x8FFFFFFF  }
0x99: {  	s20 =	sld [smem:$0x3FDB];
	_ =	sdelay $0x1  }
0x9a: {  	s5 =	simm.s32 $_scs_section_size  }
0x9b: {  	s6 =	simm.s32 $_size__tile_overlayer_lowered;
	s7 =	simm.s32 $_tile_overlayer_lowered  }
0x9c: {  	s23 =	simm.s32 $0x1BFF;
	s22 =	sshll.u32 s7, $0x1;
	s4 =	sadd.s32 s5, s20  }
0x9d: {  	s8 =	simm.s32 $0x0;
	s21 =	sshll.u32 s6, $0x1;
	s6 =	sadd.s32 s22, s4  }
0x9e: {  	[timem:s8], [sflag:s23] =	dma.local [hbm:s6], s21  }
0x9f: {  	_ =	swait.ge [sflag:s23], s21  }
0xa0: {  	s5 =	ssub.s32 $0x0, s21;
	[sflag:s23] =	ssyncset.done $0x0  }
0xa1: {  	[sflag:s23] =	ssyncadd.s32 s5;
	_ =	sdelay $0x1  }
0xa2: {  	s24 =	simm.s32 $0x1B8B  }
0xa3: {  	_ =	swait.ge [sflag:s24], $0x1  }
0xa4: {  	[sflag:s24] =	ssyncset.done $0x0  }
0xa5: {  	s25 =	simm.s32 $0x1B8E;
	[sflag:s24] =	ssyncadd.s32 $0xFFFFFFFF  }
0xa6: {  	s26 =	simm.s32 $execute0_lowered;
	[smem:$0x3FD2] =	sst s25  }
0xa7: {  	s5 =	sshll.u32 s26, $0x1;
	_ =	strace $0x80000046;
	[dreg:$0x1] =	wrdreg $0xFFFFFFFF  }
0xa8: {  	s28 =	simm.s32 $_size_execute0_lowered;
	s4 =	sadd.s32 s4, s5;
	[dreg:$0x0] =	wrdreg $0x0  }
0xa9: {  	s5 =	sshll.u32 s28, $0x1;
	[dreg:$0x2] =	wrdreg s4  }
0xaa: {  	[dreg:$0x3] =	wrdreg s5  }
0xab: {  	[dreg:$0x4] =	wrdreg $0xC0  }
0xac: {  	_ =	task [dreg:s8], $0x5FFFF  }
0xad: {  	[dreg:$0x1] =	wrdreg $0xFFFFFFFF  }
0xae: {  	[dreg:$0x0] =	wrdreg $0x60  }
0xaf: {  	[dreg:$0x2] =	wrdreg s2  }
0xb0: {  	[dreg:$0x3] =	wrdreg s19  }
0xb1: {  	[dreg:$0x4] =	wrdreg $0x39000  }
0xb2: {  	[dreg:$0x5] =	wrdreg $0x9  }
0xb3: {  	_ =	task.clear_ibuf [dreg:s8], $0x6FFFF;
	_ =	strace $0x90000046  }
0xb4: {  	s29 =	simm.s32 $0x9;
	_ =	strace $0x80000048  }
0xb5: {  	_ =	swait.ge [sflag:s29], $0x1  }
0xb6: {  	[sflag:s29] =	ssyncadd.s32 $0xFFFFFFFF  }
0xb7: {  	_ =	strace $0x90000048  }
0xb8: {  	_ =	sfence  }
0xb9: {  	s30 =	sld [smem:$0x0];
	_ =	sdelay $0x2  }
0xba: {  	s31 =	sshll.u32 s1, $0xD;
	s1 =	sshrl.u32 s1, $0x2  }
0xbb: {  	s3 =	sand.u32 $0x4000, s31;
	s1 =	sadd.s32 s1, s30  }
0xbc: {  	s0 =	sor.u32 s3, s0;
	s1 =	sshll.u32 s1, $0x11  }
0xbd: {  	s0 =	sor.u32 s1, s0  }
0xbe: {  	s0 =	sadd.s32 $0x8F2B, s0  }
0xbf: {  	[sflag:s0] =	ssyncadd.remote.s32 $0x1  }
0xc0: {  	_ =	sfence.sel $0xFFFF  }
0xc1: {  	[dreg:$0x0] =	wrdreg $0xFFFFFFFF;
	(pc) =	sbr.abs _section_cstart, $3  }
0xc2: {  	[dreg:$0x1] =	wrdreg $0xFFFFFFFF  }
0xc3: {  	_ =	task.clear_ibuf [dreg:s8], $0x2FFFF;
	_ =	strace $0x9FFFFFFF  }
0xc4: {  	(tm) =	ssettm $0x7FFFFFFF  }
0xc5: {  	_ =	shalt  }
tec
execute0_lowered:
.L_overlay_start_1:
0x0: {  	(tag) =	ssettag $0x1  }
0x1: {  	s0 =	rddreg [dreg:$0x0];
	s10 =	stileid.u32  }
0x2: {  	s1 =	rddreg [dreg:$0x1];
	s5 =	smul.u32 $0x20100, s10  }
0x3: {  	s3 =	rddreg [dreg:$0x2];
	s8 =	sshll.u32 s10, $0x9  }
0x4: {  	s4 =	simm.s32 $0x0;
	s9 =	sshrl.u32 s5, $0x2;
	s5 =	sadd.s32 s0, s8  }
0x5: {  	[smem:$0x7FF] =	sst s4;
	s0 =	sadd.s32 $0x10, s5  }
0x6: {  	_ =	strace $0x80000047;
	s21 =	sadd.s32 $0x20, s5;
	[dreg:$0x4] =	wrdreg s0  }
0x7: {  	s22 =	sadd.s32 $0x40, s5;
	[dreg:$0x9] =	wrdreg s21  }
0x8: {  	s2 =	srdreg.scid;
	s23 =	sadd.s32 $0x60, s5;
	[dreg:$0xa] =	wrdreg s22  }
0x9: {  	s28 =	simm.s32 $0x4;
	s24 =	sadd.s32 $0x80, s5;
	[dreg:$0xb] =	wrdreg s23  }
0xa: {  	s2 =	sand.u32 $0x1, s2;
	s25 =	sadd.s32 $0xA0, s5;
	[dreg:$0xc] =	wrdreg s24  }
0xb: {  	s6 =	ssub.s32 $0x2, s2;
	s30 =	sadd.s32 $0xC0, s5;
	[dreg:$0xd] =	wrdreg s25  }
0xc: {  	s7 =	sshrl.u32 s6, $0x1;
	s31 =	sadd.s32 $0xE0, s5;
	[dreg:$0xe] =	wrdreg s30  }
0xd: {  	s7 =	ssub.s32 s6, s7;
	s8 =	sadd.s32 $0x120, s5;
	[dreg:$0xf] =	wrdreg s31  }
0xe: {  	s6 =	sadd.s32 s9, s3;
	s9 =	sadd.s32 $0x140, s5;
	[dreg:$0x11] =	wrdreg s8  }
0xf: {  	s29 =	simm.s32 $0x0;
	s13 =	sadd.s32 $0x160, s5;
	[dreg:$0x12] =	wrdreg s9  }
0x10: {  	s12 =	sshll.u32 s10, $0xC;
	s15 =	sadd.s32 $0x180, s5;
	[dreg:$0x13] =	wrdreg s13  }
0x11: {  	s14 =	sshll.u32 s10, $0xF;
	s16 =	sadd.s32 $0x1A0, s5;
	[dreg:$0x14] =	wrdreg s15  }
0x12: {  	s26 =	sshll.u32 s2, $0x9;
	s17 =	sadd.s32 $0x2010, s6;
	[dreg:$0x15] =	wrdreg s16  }
0x13: {  	s11 =	sshll.u32 s2, $0x10;
	s18 =	sadd.s32 $0x4020, s6;
	[dreg:$0x5] =	wrdreg s17  }
0x14: {  	v0 =	vmov s26;
	s26 =	simm.s32 $0x10;
	s19 =	sadd.s32 $0x6030, s6;
	[dreg:$0x6] =	wrdreg s18  }
0x15: {  	s10 =	sadd.s32 $0x110, s5;
	s20 =	smax.u32 s7, $0x1;
	[dreg:$0x7] =	wrdreg s19  }
0x16: {  	s7 =	sadd.s32 $0x100, s5;
	s23 =	sor.u32 s12, s11;
	[dreg:$0x8] =	wrdreg s20  }
0x17: {  	s24 =	sadd.s32 s14, s3;
	s21 =	sadd.s32 $0x70, s5;
	[dreg:$0x10] =	wrdreg s7  }
0x18: {  	s22 =	sadd.s32 $0x90, s5;
	s25 =	sadd.s32 $0xB0, s5;
	[dreg:$0x1a] =	wrdreg s21  }
0x19: {  	s30 =	sadd.s32 $0xD0, s5;
	s31 =	sadd.s32 $0xF0, s5;
	[dreg:$0x1b] =	wrdreg s22  }
0x1a: {  	s11 =	sadd.s32 $0x130, s5;
	s12 =	sadd.s32 $0x150, s5;
	[dreg:$0x1c] =	wrdreg s25  }
0x1b: {  	s13 =	sadd.s32 $0x170, s5;
	s14 =	sadd.s32 $0x190, s5;
	[dreg:$0x1d] =	wrdreg s30  }
0x1c: {  	s15 =	sadd.s32 $0x1B0, s5;
	s17 =	sadd.s32 $0x1C0, s5;
	[dreg:$0x1e] =	wrdreg s31  }
0x1d: {  	s16 =	sadd.s32 $0x1D0, s5;
	s18 =	sadd.s32 $0x1E0, s5;
	[dreg:$0x16] =	wrdreg s17  }
0x1e: {  	s19 =	sadd.s32 $0x30, s5;
	s20 =	sadd.s32 $0x50, s5;
	[dreg:$0x17] =	wrdreg s18  }
0x1f: {  	s21 =	simm.s32 $0x2;
	s22 =	simm.s32 $0x1800;
	[dreg:$0x18] =	wrdreg s19  }
0x20: {  	s25 =	simm.s32 $0x3;
	[dreg:$0x19] =	wrdreg s20;
	s17 =	sadd.s32 $0x1F0, s5  }
0x21: {  	v1 =	vimm.f32 $0.0e+00;
	v2 =	vimm.f32 $1.000000000e+00;
	s18 =	simm.s32 $0x80;
	s19 =	simm.s32 $0x1880;
	s20 =	simm.s32 $0x1  }
.LBB2_1:
0x22: {  	[tilespmem:s4], [sflag:$0x1] =	stream.linear.gather [hbm4b:s5+s4], $0x80, $0x38;
	[tilespmem:$0xB940] =	vst v63  }
0x23: {  	s0 =	rddreg [dreg:$0x9];
	s2 =	simm.s32 $0x100  }
0x24: {  	[tilespmem:s2], [sflag:$0x1] =	stream.linear.gather [hbm4b:s0+s4], $0x80, $0x38;
	[tilespmem:$0xB940] =	vst v63  }
0x25: {  	s8 =	rddreg [dreg:$0xa];
	s9 =	simm.s32 $0x200  }
0x26: {  	[tilespmem:s9], [sflag:$0x1] =	stream.linear.gather [hbm4b:s8+s4], $0x80, $0x38;
	[tilespmem:$0xB940] =	vst v63  }
0x27: {  	s30 =	rddreg [dreg:$0xb];
	s31 =	simm.s32 $0x300  }
0x28: {  	[tilespmem:s31], [sflag:$0x1] =	stream.linear.gather [hbm4b:s30+s4], $0x80, $0x38;
	[tilespmem:$0xB940] =	vst v63  }
0x29: {  	s7 =	simm.s32 $0x400;
	s2 =	rddreg [dreg:$0xc]  }
0x2a: {  	[tilespmem:s7], [sflag:$0x1] =	stream.linear.gather [hbm4b:s2+s4], $0x80, $0x38;
	[tilespmem:$0xB940] =	vst v63  }
0x2b: {  	s8 =	rddreg [dreg:$0xd];
	s9 =	simm.s32 $0x500  }
0x2c: {  	[tilespmem:s9], [sflag:$0x1] =	stream.linear.gather [hbm4b:s8+s4], $0x80, $0x38;
	[tilespmem:$0xB940] =	vst v63  }
0x2d: {  	s30 =	rddreg [dreg:$0xe];
	s31 =	simm.s32 $0x600  }
0x2e: {  	[tilespmem:s31], [sflag:$0x1] =	stream.linear.gather [hbm4b:s30+s4], $0x80, $0x38;
	[tilespmem:$0xB940] =	vst v63  }
0x2f: {  	s2 =	rddreg [dreg:$0xf];
	s7 =	simm.s32 $0x700  }
0x30: {  	[tilespmem:s7], [sflag:$0x1] =	stream.linear.gather [hbm4b:s2+s4], $0x80, $0x38;
	[tilespmem:$0xB940] =	vst v63  }
0x31: {  	s8 =	rddreg [dreg:$0x10];
	s9 =	simm.s32 $0x800  }
0x32: {  	[tilespmem:s9], [sflag:$0x1] =	stream.linear.gather [hbm4b:s8+s4], $0x80, $0x38;
	[tilespmem:$0xB940] =	vst v63  }
0x33: {  	s30 =	rddreg [dreg:$0x11];
	s31 =	simm.s32 $0x900  }
0x34: {  	[tilespmem:s31], [sflag:$0x1] =	stream.linear.gather [hbm4b:s30+s4], $0x80, $0x38;
	[tilespmem:$0xB940] =	vst v63  }
0x35: {  	s2 =	rddreg [dreg:$0x12];
	s7 =	simm.s32 $0xA00  }
0x36: {  	[tilespmem:s7], [sflag:$0x1] =	stream.linear.gather [hbm4b:s2+s4], $0x80, $0x38;
	[tilespmem:$0xB940] =	vst v63  }
0x37: {  	s8 =	rddreg [dreg:$0x13];
	s9 =	simm.s32 $0xB00  }
0x38: {  	[tilespmem:s9], [sflag:$0x1] =	stream.linear.gather [hbm4b:s8+s4], $0x80, $0x38;
	[tilespmem:$0xB940] =	vst v63  }
0x39: {  	s30 =	rddreg [dreg:$0x14];
	s31 =	simm.s32 $0xC00  }
0x3a: {  	[tilespmem:s31], [sflag:$0x1] =	stream.linear.gather [hbm4b:s30+s4], $0x80, $0x38;
	[tilespmem:$0xB940] =	vst v63  }
0x3b: {  	s2 =	rddreg [dreg:$0x15];
	s7 =	simm.s32 $0xD00  }
0x3c: {  	[tilespmem:s7], [sflag:$0x1] =	stream.linear.gather [hbm4b:s2+s4], $0x80, $0x38;
	[tilespmem:$0xB940] =	vst v63  }
0x3d: {  	s8 =	rddreg [dreg:$0x16];
	s9 =	simm.s32 $0xE00  }
0x3e: {  	[tilespmem:s9], [sflag:$0x1] =	stream.linear.gather [hbm4b:s8+s4], $0x80, $0x38;
	[tilespmem:$0xB940] =	vst v63  }
0x3f: {  	s30 =	rddreg [dreg:$0x17];
	s31 =	simm.s32 $0xF00  }
0x40: {  	[tilespmem:s31], [sflag:$0x1] =	stream.linear.gather [hbm4b:s30+s4], $0x80, $0x38;
	[tilespmem:$0xB940] =	vst v63  }
0x41: {  	s7 =	rddreg [dreg:$0x4]  }
0x42: {  	[tilespmem:s18], [sflag:$0x1] =	stream.linear.gather [hbm4b:s7+s4], $0x80, $0x38;
	[tilespmem:$0xB940] =	vst v63  }
0x43: {  	s8 =	rddreg [dreg:$0x18];
	s9 =	simm.s32 $0x180  }
0x44: {  	[tilespmem:s9], [sflag:$0x1] =	stream.linear.gather [hbm4b:s8+s4], $0x80, $0x38;
	[tilespmem:$0xB940] =	vst v63  }
0x45: {  	s30 =	rddreg [dreg:$0x19];
	s31 =	simm.s32 $0x280  }
0x46: {  	[tilespmem:s31], [sflag:$0x1] =	stream.linear.gather [hbm4b:s30+s4], $0x80, $0x38;
	[tilespmem:$0xB940] =	vst v63  }
0x47: {  	s2 =	rddreg [dreg:$0x1a];
	s7 =	simm.s32 $0x380  }
0x48: {  	[tilespmem:s7], [sflag:$0x1] =	stream.linear.gather [hbm4b:s2+s4], $0x80, $0x38;
	[tilespmem:$0xB940] =	vst v63  }
0x49: {  	s8 =	rddreg [dreg:$0x1b];
	s9 =	simm.s32 $0x480  }
0x4a: {  	[tilespmem:s9], [sflag:$0x1] =	stream.linear.gather [hbm4b:s8+s4], $0x80, $0x38;
	[tilespmem:$0xB940] =	vst v63  }
0x4b: {  	s30 =	rddreg [dreg:$0x1c];
	s31 =	simm.s32 $0x580  }
0x4c: {  	[tilespmem:s31], [sflag:$0x1] =	stream.linear.gather [hbm4b:s30+s4], $0x80, $0x38;
	[tilespmem:$0xB940] =	vst v63  }
0x4d: {  	s2 =	rddreg [dreg:$0x1d];
	s7 =	simm.s32 $0x680  }
0x4e: {  	[tilespmem:s7], [sflag:$0x1] =	stream.linear.gather [hbm4b:s2+s4], $0x80, $0x38;
	[tilespmem:$0xB940] =	vst v63  }
0x4f: {  	s8 =	rddreg [dreg:$0x1e];
	s9 =	simm.s32 $0x780  }
0x50: {  	[tilespmem:s9], [sflag:$0x1] =	stream.linear.gather [hbm4b:s8+s4], $0x80, $0x38;
	[tilespmem:$0xB940] =	vst v63  }
0x51: {  	s30 =	simm.s32 $0x880  }
0x52: {  	[tilespmem:s30], [sflag:$0x1] =	stream.linear.gather [hbm4b:s10+s4], $0x80, $0x38;
	[tilespmem:$0xB940] =	vst v63  }
0x53: {  	s31 =	simm.s32 $0x980  }
0x54: {  	[tilespmem:s31], [sflag:$0x1] =	stream.linear.gather [hbm4b:s11+s4], $0x80, $0x38;
	[tilespmem:$0xB940] =	vst v63  }
0x55: {  	s2 =	simm.s32 $0xA80  }
0x56: {  	[tilespmem:s2], [sflag:$0x1] =	stream.linear.gather [hbm4b:s12+s4], $0x80, $0x38;
	[tilespmem:$0xB940] =	vst v63  }
0x57: {  	s7 =	simm.s32 $0xB80  }
0x58: {  	[tilespmem:s7], [sflag:$0x1] =	stream.linear.gather [hbm4b:s13+s4], $0x80, $0x38;
	[tilespmem:$0xB940] =	vst v63  }
0x59: {  	s8 =	simm.s32 $0xC80  }
0x5a: {  	[tilespmem:s8], [sflag:$0x1] =	stream.linear.gather [hbm4b:s14+s4], $0x80, $0x38;
	[tilespmem:$0xB940] =	vst v63  }
0x5b: {  	s9 =	simm.s32 $0xD80  }
0x5c: {  	[tilespmem:s9], [sflag:$0x1] =	stream.linear.gather [hbm4b:s15+s4], $0x80, $0x38;
	[tilespmem:$0xB940] =	vst v63  }
0x5d: {  	s30 =	simm.s32 $0xE80  }
0x5e: {  	[tilespmem:s30], [sflag:$0x1] =	stream.linear.gather [hbm4b:s16+s4], $0x80, $0x38;
	[tilespmem:$0xB940] =	vst v63  }
0x5f: {  	s0 =	simm.s32 $0x40;
	s31 =	simm.s32 $0xF80;
	s2 =	simm.s32 $0x0  }
0x60: {  	[tilespmem:s31], [sflag:$0x1] =	stream.linear.gather [hbm4b:s17+s4], $0x80, $0x38;
	[tilespmem:$0xB940] =	vst v63  }
.LBB2_2:
0x61: {  	p0 =	sne.s32 s0, $0x8000;
	[tilespmem:s2+$0x1880] =	vst v1;
	s2 =	smov.u32 s0;
	s0 =	sadd.s32 $0x40, s0  }
.Ltmp0:
0x62: {  	(pc) =	sbr.rel @p0 .LBB2_2-.Ltmp0, $2  }
0x63: {  	_ =	sdelay $0x2  }
0x64: {  	s2 =	sshra.s32 s2, $0x2  }
0x65: {  	[tilespmem:s2+$0x1880] =	vst v1  }
0x66: {  	[tilespmem:$0x1800] =	vst v2  }
0x67: {  	[tilespmem:$0x1810] =	vst v2  }
0x68: {  	[tilespmem:$0x1820] =	vst v2  }
0x69: {  	[tilespmem:$0x1830] =	vst v2  }
0x6a: {  	[tilespmem:$0x1840] =	vst v2  }
0x6b: {  	[tilespmem:$0x1850] =	vst v2  }
0x6c: {  	[tilespmem:$0x1860] =	vst v2  }
0x6d: {  	[tilespmem:$0x1870] =	vst v2  }
0x6e: {  	[spmem:s6] =	stream.linear.scatter [tilespmem:s19], [sflag:$0x2], $0x2010, $0x38;
	[tilespmem:$0xB940] =	vst v63  }
0x6f: {  	s0 =	rddreg [dreg:$0x5]  }
0x70: {  	[spmem:s0] =	stream.linear.scatter [tilespmem:s19], [sflag:$0x2], $0x2010, $0x38;
	[tilespmem:$0xB940] =	vst v63  }
0x71: {  	s2 =	rddreg [dreg:$0x6]  }
0x72: {  	[spmem:s2] =	stream.linear.scatter [tilespmem:s19], [sflag:$0x2], $0x2010, $0x38;
	[tilespmem:$0xB940] =	vst v63  }
0x73: {  	s7 =	rddreg [dreg:$0x7]  }
0x74: {  	[spmem:s7] =	stream.linear.scatter [tilespmem:s19], [sflag:$0x2], $0x2010, $0x38;
	[tilespmem:$0xB940] =	vst v63  }
0x75: {  	_ =	swait.ge [sflag:s20], $0x800  }
0x76: {  	[sflag:s20] =	ssyncset.done $0x0  }
0x77: {  	[sflag:s20] =	ssyncadd.s32 $0xFFFFF800  }
0x78: {  	s8 =	simm.s32 $0x0;
	_ =	swait.ge [sflag:s20], $0x800  }
0x79: {  	s9 =	sand.u32 $0x70, s8;
	s7 =	sand.u32 $0xF00, s8;
	[sflag:s20] =	ssyncset.done $0x0  }
0x7a: {  	s2 =	sor.u32 s9, s7;
	[sflag:s20] =	ssyncadd.s32 $0xFFFFF800  }
0x7b: {  	v3 =	vld [tilespmem:s2+$0x80];
	_ =	sdelay $0x2  }
0x7c: {  	v4 =	vld [tilespmem:s2+$0x0];
	_ =	sdelay $0x1  }
0x7d: {  	v3 =	vsub.s32 v3, v0  }
0x7e: {  	v3 =	vmin.u32 v3, $0x200  }
0x7f: {  	s30 =	simm.s32 $0x10;
	s31 =	simm.s32 $0x20;
	s0 =	simm.s32 $0x20;
	v3 =	vshll.u32 v3, $0xA  }
0x80: {  	s7 =	sand.u32 $0x70, s30;
	s2 =	sand.u32 $0x7F0, s8;
	s8 =	sand.u32 $0xF00, s31;
	v3 =	vadd.s32 v4, v3  }
.LBB2_4:
0x81: {  	p0 =	sne.s32 s0, $0x7F0;
	s7 =	sor.u32 s7, s8;
	[tilespmem:s2+$0x1000] =	vst v3  }
0x82: {  	v3 =	vld [tilespmem:s7+$0x80];
	_ =	sdelay $0x2  }
0x83: {  	v4 =	vld [tilespmem:s7+$0x0]  }
.Ltmp1:
0x84: {  	(pc) =	sbr.rel @p0 .LBB2_4-.Ltmp1, $4  }
0x85: {  	v3 =	vsub.s32 v3, v0  }
0x86: {  	v3 =	vmin.u32 v3, $0x200  }
0x87: {  	s2 =	sand.u32 $0x7F0, s30;
	s31 =	sadd.s32 $0x20, s31;
	s30 =	smov.u32 s0;
	v3 =	vshll.u32 v3, $0xA  }
0x88: {  	s0 =	sadd.s32 $0x10, s0;
	s8 =	sand.u32 $0xF00, s31;
	s7 =	sand.u32 $0x70, s30;
	v3 =	vadd.s32 v4, v3  }
0x89: {  	s0 =	sor.u32 s7, s8;
	[tilespmem:s2+$0x1000] =	vst v3  }
0x8a: {  	v3 =	vld [tilespmem:s0+$0x80];
	_ =	sdelay $0x2  }
0x8b: {  	v4 =	vld [tilespmem:s0+$0x0];
	_ =	sdelay $0x1  }
0x8c: {  	v3 =	vsub.s32 v3, v0  }
0x8d: {  	v3 =	vmin.u32 v3, $0x200  }
0x8e: {  	v3 =	vshll.u32 v3, $0xA  }
0x8f: {  	s2 =	sand.u32 $0x7F0, s30;
	v3 =	vadd.s32 v4, v3  }
0x90: {  	[tilespmem:s2+$0x1000] =	vst v3  }
0x91: {  	_ =	swait.ge [sflag:s21], $0x2010  }
0x92: {  	[sflag:s21] =	ssyncset.done $0x0  }
0x93: {  	[sflag:s21] =	ssyncadd.s32 $0xFFFFDFF0  }
0x94: {  	_ =	swait.ge [sflag:s21], $0x2010  }
0x95: {  	[sflag:s21] =	ssyncset.done $0x0  }
0x96: {  	[sflag:s21] =	ssyncadd.s32 $0xFFFFDFF0  }
0x97: {  	_ =	swait.ge [sflag:s21], $0x2010  }
0x98: {  	[sflag:s21] =	ssyncset.done $0x0  }
0x99: {  	[sflag:s21] =	ssyncadd.s32 $0xFFFFDFF0  }
0x9a: {  	_ =	swait.ge [sflag:s21], $0x2010  }
0x9b: {  	[sflag:s21] =	ssyncset.done $0x0  }
0x9c: {  	[sflag:s21] =	ssyncadd.s32 $0xFFFFDFF0  }
0x9d: {  	s7 =	simm.s32 $0x1000;
	[bflag:$0x0] =	sbarrier.arrive $0xFFFF  }
0x9e: {  	[spmem:s3] =	stream.indirect.scatter.add.f32 [tilespmem:s22], [sflag:$0x3], $0x1, s7, s18, $0xb8;
	[tilespmem:$0xB940] =	vst v63  }
0x9f: {  	s8 =	simm.s32 $0x1080  }
0xa0: {  	[spmem:s3] =	stream.indirect.scatter.add.f32 [tilespmem:s22], [sflag:$0x3], $0x1, s8, s18, $0xb8;
	[tilespmem:$0xB940] =	vst v63  }
0xa1: {  	s9 =	simm.s32 $0x1100  }
0xa2: {  	[spmem:s3] =	stream.indirect.scatter.add.f32 [tilespmem:s22], [sflag:$0x3], $0x1, s9, s18, $0xb8;
	[tilespmem:$0xB940] =	vst v63  }
0xa3: {  	s2 =	simm.s32 $0x1180  }
0xa4: {  	[spmem:s3] =	stream.indirect.scatter.add.f32 [tilespmem:s22], [sflag:$0x3], $0x1, s2, s18, $0xb8;
	[tilespmem:$0xB940] =	vst v63  }
0xa5: {  	s7 =	simm.s32 $0x1200  }
0xa6: {  	[spmem:s3] =	stream.indirect.scatter.add.f32 [tilespmem:s22], [sflag:$0x3], $0x1, s7, s18, $0xb8;
	[tilespmem:$0xB940] =	vst v63  }
0xa7: {  	s8 =	simm.s32 $0x1280  }
0xa8: {  	[spmem:s3] =	stream.indirect.scatter.add.f32 [tilespmem:s22], [sflag:$0x3], $0x1, s8, s18, $0xb8;
	[tilespmem:$0xB940] =	vst v63  }
0xa9: {  	s9 =	simm.s32 $0x1300  }
0xaa: {  	[spmem:s3] =	stream.indirect.scatter.add.f32 [tilespmem:s22], [sflag:$0x3], $0x1, s9, s18, $0xb8;
	[tilespmem:$0xB940] =	vst v63  }
0xab: {  	s2 =	simm.s32 $0x1380  }
0xac: {  	[spmem:s3] =	stream.indirect.scatter.add.f32 [tilespmem:s22], [sflag:$0x3], $0x1, s2, s18, $0xb8;
	[tilespmem:$0xB940] =	vst v63  }
0xad: {  	s7 =	simm.s32 $0x1400  }
0xae: {  	[spmem:s3] =	stream.indirect.scatter.add.f32 [tilespmem:s22], [sflag:$0x3], $0x1, s7, s18, $0xb8;
	[tilespmem:$0xB940] =	vst v63  }
0xaf: {  	s8 =	simm.s32 $0x1480  }
0xb0: {  	[spmem:s3] =	stream.indirect.scatter.add.f32 [tilespmem:s22], [sflag:$0x3], $0x1, s8, s18, $0xb8;
	[tilespmem:$0xB940] =	vst v63  }
0xb1: {  	s9 =	simm.s32 $0x1500  }
0xb2: {  	[spmem:s3] =	stream.indirect.scatter.add.f32 [tilespmem:s22], [sflag:$0x3], $0x1, s9, s18, $0xb8;
	[tilespmem:$0xB940] =	vst v63  }
0xb3: {  	s2 =	simm.s32 $0x1580  }
0xb4: {  	[spmem:s3] =	stream.indirect.scatter.add.f32 [tilespmem:s22], [sflag:$0x3], $0x1, s2, s18, $0xb8;
	[tilespmem:$0xB940] =	vst v63  }
0xb5: {  	s7 =	simm.s32 $0x1600  }
0xb6: {  	[spmem:s3] =	stream.indirect.scatter.add.f32 [tilespmem:s22], [sflag:$0x3], $0x1, s7, s18, $0xb8;
	[tilespmem:$0xB940] =	vst v63  }
0xb7: {  	s8 =	simm.s32 $0x1680  }
0xb8: {  	[spmem:s3] =	stream.indirect.scatter.add.f32 [tilespmem:s22], [sflag:$0x3], $0x1, s8, s18, $0xb8;
	[tilespmem:$0xB940] =	vst v63  }
0xb9: {  	s9 =	simm.s32 $0x1700  }
0xba: {  	[spmem:s3] =	stream.indirect.scatter.add.f32 [tilespmem:s22], [sflag:$0x3], $0x1, s9, s18, $0xb8;
	[tilespmem:$0xB940] =	vst v63  }
0xbb: {  	s2 =	simm.s32 $0x1780  }
0xbc: {  	[spmem:s3] =	stream.indirect.scatter.add.f32 [tilespmem:s22], [sflag:$0x3], $0x1, s2, s18, $0xb8;
	[tilespmem:$0xB940] =	vst v63  }
0xbd: {  	_ =	swait.ge [sflag:s25], $0x80  }
0xbe: {  	[sflag:s25] =	ssyncset.done $0x0  }
0xbf: {  	[sflag:s25] =	ssyncadd.s32 $0xFFFFFF80  }
0xc0: {  	_ =	swait.ge [sflag:s25], $0x80  }
0xc1: {  	[sflag:s25] =	ssyncset.done $0x0  }
0xc2: {  	[sflag:s25] =	ssyncadd.s32 $0xFFFFFF80  }
0xc3: {  	_ =	swait.ge [sflag:s25], $0x80  }
0xc4: {  	[sflag:s25] =	ssyncset.done $0x0  }
0xc5: {  	[sflag:s25] =	ssyncadd.s32 $0xFFFFFF80  }
0xc6: {  	_ =	swait.ge [sflag:s25], $0x80  }
0xc7: {  	[sflag:s25] =	ssyncset.done $0x0  }
0xc8: {  	[sflag:s25] =	ssyncadd.s32 $0xFFFFFF80  }
0xc9: {  	_ =	swait.ge [sflag:s25], $0x80  }
0xca: {  	[sflag:s25] =	ssyncset.done $0x0  }
0xcb: {  	[sflag:s25] =	ssyncadd.s32 $0xFFFFFF80  }
0xcc: {  	_ =	swait.ge [sflag:s25], $0x80  }
0xcd: {  	[sflag:s25] =	ssyncset.done $0x0  }
0xce: {  	[sflag:s25] =	ssyncadd.s32 $0xFFFFFF80  }
0xcf: {  	_ =	swait.ge [sflag:s25], $0x80  }
0xd0: {  	[sflag:s25] =	ssyncset.done $0x0  }
0xd1: {  	[sflag:s25] =	ssyncadd.s32 $0xFFFFFF80  }
0xd2: {  	_ =	swait.ge [sflag:s25], $0x80  }
0xd3: {  	[sflag:s25] =	ssyncset.done $0x0  }
0xd4: {  	[sflag:s25] =	ssyncadd.s32 $0xFFFFFF80  }
0xd5: {  	_ =	swait.ge [sflag:s25], $0x80  }
0xd6: {  	[sflag:s25] =	ssyncset.done $0x0  }
0xd7: {  	[sflag:s25] =	ssyncadd.s32 $0xFFFFFF80  }
0xd8: {  	_ =	swait.ge [sflag:s25], $0x80  }
0xd9: {  	[sflag:s25] =	ssyncset.done $0x0  }
0xda: {  	[sflag:s25] =	ssyncadd.s32 $0xFFFFFF80  }
0xdb: {  	_ =	swait.ge [sflag:s25], $0x80  }
0xdc: {  	[sflag:s25] =	ssyncset.done $0x0  }
0xdd: {  	[sflag:s25] =	ssyncadd.s32 $0xFFFFFF80  }
0xde: {  	_ =	swait.ge [sflag:s25], $0x80  }
0xdf: {  	[sflag:s25] =	ssyncset.done $0x0  }
0xe0: {  	[sflag:s25] =	ssyncadd.s32 $0xFFFFFF80  }
0xe1: {  	_ =	swait.ge [sflag:s25], $0x80  }
0xe2: {  	[sflag:s25] =	ssyncset.done $0x0  }
0xe3: {  	[sflag:s25] =	ssyncadd.s32 $0xFFFFFF80  }
0xe4: {  	_ =	swait.ge [sflag:s25], $0x80  }
0xe5: {  	[sflag:s25] =	ssyncset.done $0x0  }
0xe6: {  	[sflag:s25] =	ssyncadd.s32 $0xFFFFFF80  }
0xe7: {  	_ =	swait.ge [sflag:s25], $0x80  }
0xe8: {  	s30 =	simm.s32 $0x10;
	s31 =	sadd.s32 $0x400, s24;
	[sflag:s25] =	ssyncset.done $0x0  }
0xe9: {  	s0 =	sadd.s32 $0x80, s23;
	s7 =	simm.s32 $0x0;
	[sflag:s25] =	ssyncadd.s32 $0xFFFFFF80  }
0xea: {  	s8 =	sand.u32 $0x70, s7;
	s7 =	sand.u32 $0x1FC00, s23;
	_ =	swait.ge [sflag:s25], $0x80  }
0xeb: {  	s9 =	stileid.u32;
	s2 =	sadd.s32 s1, s8;
	[sflag:s25] =	ssyncset.done $0x0  }
0xec: {  	s8 =	sshll.u32 s9, $0x6;
	s7 =	sadd.s32 s7, s2;
	[sflag:s25] =	ssyncadd.s32 $0xFFFFFF80  }
0xed: {  	s2 =	sor.u32 $0x1C04, s8;
	s8 =	sshrl.u32 s24, $0x3;
	[bflag:$0x0] =	sbarrier.arrive $0xFFFF  }
.LBB2_6:
0xee: {  	[hbm:s7@s18], [sflag:s2] =	dma.strided [spmem:s8@s26], $0x80, s20, $0x10   }
0xef: {  	s7 =	smov.u32 s30  }
0xf0: {  	s8 =	smov.u32 s0;
	s9 =	smov.u32 s31;
	p0 =	sne.s32 s30, $0x1F0  }
.Ltmp2:
0xf1: {  	s30 =	sadd.s32 $0x10, s30;
	(pc) =	sbr.rel @p0 .LBB2_6-.Ltmp2, $4  }
0xf2: {  	_ = 	snop  }
0xf3: {  	s0 =	sadd.s32 $0x80, s0;
	s31 =	sadd.s32 $0x400, s31;
	s7 =	sand.u32 $0x70, s7  }
0xf4: {  	s8 =	sand.u32 $0x1FC00, s8;
	s7 =	sadd.s32 s1, s7  }
0xf5: {  	s7 =	sadd.s32 s8, s7;
	s8 =	sshrl.u32 s9, $0x3  }
0xf6: {  	[hbm:s7@s18], [sflag:s2] =	dma.strided [spmem:s8@s26], $0x80, s20, $0x10   }
0xf7: {  	_ =	swait.ge [sflag:s28], $0x80  }
0xf8: {  	[sflag:s28] =	ssyncset.done $0x0  }
0xf9: {  	[sflag:s28] =	ssyncadd.s32 $0xFFFFFF80  }
0xfa: {  	_ =	swait.ge [sflag:s28], $0x80  }
0xfb: {  	[sflag:s28] =	ssyncset.done $0x0  }
0xfc: {  	[sflag:s28] =	ssyncadd.s32 $0xFFFFFF80  }
0xfd: {  	_ =	swait.ge [sflag:s28], $0x80  }
0xfe: {  	[sflag:s28] =	ssyncset.done $0x0  }
0xff: {  	[sflag:s28] =	ssyncadd.s32 $0xFFFFFF80  }
0x100: {  	_ =	swait.ge [sflag:s28], $0x80  }
0x101: {  	[sflag:s28] =	ssyncset.done $0x0  }
0x102: {  	[sflag:s28] =	ssyncadd.s32 $0xFFFFFF80  }
0x103: {  	_ =	swait.ge [sflag:s28], $0x80  }
0x104: {  	[sflag:s28] =	ssyncset.done $0x0  }
0x105: {  	[sflag:s28] =	ssyncadd.s32 $0xFFFFFF80  }
0x106: {  	_ =	swait.ge [sflag:s28], $0x80  }
0x107: {  	[sflag:s28] =	ssyncset.done $0x0  }
0x108: {  	[sflag:s28] =	ssyncadd.s32 $0xFFFFFF80  }
0x109: {  	_ =	swait.ge [sflag:s28], $0x80  }
0x10a: {  	[sflag:s28] =	ssyncset.done $0x0  }
0x10b: {  	[sflag:s28] =	ssyncadd.s32 $0xFFFFFF80  }
0x10c: {  	_ =	swait.ge [sflag:s28], $0x80  }
0x10d: {  	[sflag:s28] =	ssyncset.done $0x0  }
0x10e: {  	[sflag:s28] =	ssyncadd.s32 $0xFFFFFF80  }
0x10f: {  	_ =	swait.ge [sflag:s28], $0x80  }
0x110: {  	[sflag:s28] =	ssyncset.done $0x0  }
0x111: {  	[sflag:s28] =	ssyncadd.s32 $0xFFFFFF80  }
0x112: {  	_ =	swait.ge [sflag:s28], $0x80  }
0x113: {  	[sflag:s28] =	ssyncset.done $0x0  }
0x114: {  	[sflag:s28] =	ssyncadd.s32 $0xFFFFFF80  }
0x115: {  	_ =	swait.ge [sflag:s28], $0x80  }
0x116: {  	[sflag:s28] =	ssyncset.done $0x0  }
0x117: {  	[sflag:s28] =	ssyncadd.s32 $0xFFFFFF80  }
0x118: {  	_ =	swait.ge [sflag:s28], $0x80  }
0x119: {  	[sflag:s28] =	ssyncset.done $0x0  }
0x11a: {  	[sflag:s28] =	ssyncadd.s32 $0xFFFFFF80  }
0x11b: {  	_ =	swait.ge [sflag:s28], $0x80  }
0x11c: {  	[sflag:s28] =	ssyncset.done $0x0  }
0x11d: {  	[sflag:s28] =	ssyncadd.s32 $0xFFFFFF80  }
0x11e: {  	_ =	swait.ge [sflag:s28], $0x80  }
0x11f: {  	[sflag:s28] =	ssyncset.done $0x0  }
0x120: {  	[sflag:s28] =	ssyncadd.s32 $0xFFFFFF80  }
0x121: {  	_ =	swait.ge [sflag:s28], $0x80  }
0x122: {  	[sflag:s28] =	ssyncset.done $0x0  }
0x123: {  	[sflag:s28] =	ssyncadd.s32 $0xFFFFFF80  }
0x124: {  	_ =	swait.ge [sflag:s28], $0x80  }
0x125: {  	[sflag:s28] =	ssyncset.done $0x0  }
0x126: {  	[sflag:s28] =	ssyncadd.s32 $0xFFFFFF80  }
0x127: {  	_ =	swait.ge [sflag:s28], $0x80  }
0x128: {  	[sflag:s28] =	ssyncset.done $0x0  }
0x129: {  	[sflag:s28] =	ssyncadd.s32 $0xFFFFFF80  }
0x12a: {  	_ =	swait.ge [sflag:s28], $0x80  }
0x12b: {  	[sflag:s28] =	ssyncset.done $0x0  }
0x12c: {  	[sflag:s28] =	ssyncadd.s32 $0xFFFFFF80  }
0x12d: {  	_ =	swait.ge [sflag:s28], $0x80  }
0x12e: {  	[sflag:s28] =	ssyncset.done $0x0  }
0x12f: {  	[sflag:s28] =	ssyncadd.s32 $0xFFFFFF80  }
0x130: {  	_ =	swait.ge [sflag:s28], $0x80  }
0x131: {  	[sflag:s28] =	ssyncset.done $0x0  }
0x132: {  	[sflag:s28] =	ssyncadd.s32 $0xFFFFFF80  }
0x133: {  	_ =	swait.ge [sflag:s28], $0x80  }
0x134: {  	[sflag:s28] =	ssyncset.done $0x0  }
0x135: {  	[sflag:s28] =	ssyncadd.s32 $0xFFFFFF80  }
0x136: {  	_ =	swait.ge [sflag:s28], $0x80  }
0x137: {  	[sflag:s28] =	ssyncset.done $0x0  }
0x138: {  	[sflag:s28] =	ssyncadd.s32 $0xFFFFFF80  }
0x139: {  	_ =	swait.ge [sflag:s28], $0x80  }
0x13a: {  	[sflag:s28] =	ssyncset.done $0x0  }
0x13b: {  	[sflag:s28] =	ssyncadd.s32 $0xFFFFFF80  }
0x13c: {  	_ =	swait.ge [sflag:s28], $0x80  }
0x13d: {  	[sflag:s28] =	ssyncset.done $0x0  }
0x13e: {  	[sflag:s28] =	ssyncadd.s32 $0xFFFFFF80  }
0x13f: {  	_ =	swait.ge [sflag:s28], $0x80  }
0x140: {  	[sflag:s28] =	ssyncset.done $0x0  }
0x141: {  	[sflag:s28] =	ssyncadd.s32 $0xFFFFFF80  }
0x142: {  	_ =	swait.ge [sflag:s28], $0x80  }
0x143: {  	[sflag:s28] =	ssyncset.done $0x0  }
0x144: {  	[sflag:s28] =	ssyncadd.s32 $0xFFFFFF80  }
0x145: {  	_ =	swait.ge [sflag:s28], $0x80  }
0x146: {  	[sflag:s28] =	ssyncset.done $0x0  }
0x147: {  	[sflag:s28] =	ssyncadd.s32 $0xFFFFFF80  }
0x148: {  	_ =	swait.ge [sflag:s28], $0x80  }
0x149: {  	[sflag:s28] =	ssyncset.done $0x0  }
0x14a: {  	[sflag:s28] =	ssyncadd.s32 $0xFFFFFF80  }
0x14b: {  	_ =	swait.ge [sflag:s28], $0x80  }
0x14c: {  	[sflag:s28] =	ssyncset.done $0x0  }
0x14d: {  	[sflag:s28] =	ssyncadd.s32 $0xFFFFFF80  }
0x14e: {  	_ =	swait.ge [sflag:s28], $0x80  }
0x14f: {  	[sflag:s28] =	ssyncset.done $0x0  }
0x150: {  	[sflag:s28] =	ssyncadd.s32 $0xFFFFFF80  }
0x151: {  	_ =	swait.ge [sflag:s28], $0x80  }
0x152: {  	[sflag:s28] =	ssyncset.done $0x0  }
0x153: {  	[sflag:s28] =	ssyncadd.s32 $0xFFFFFF80  }
0x154: {  	_ =	swait.ge [sflag:s28], $0x80  }
0x155: {  	s29 =	sadd.s32 $0x1, s29;
	s0 =	rddreg [dreg:$0x8]  }
0x156: {  	p0 =	sne.s32 s29, s0  }
.Ltmp3:
0x157: {  	_ = 	snop;
	(pc) =	sbr.rel @p0 .LBB2_1-.Ltmp3, $3  }
0x158: {  	_ =	sdelay $0x1  }
0x159: {  	[sflag:s28] =	ssyncset.done $0x0  }
0x15a: {  	[sflag:s28] =	ssyncadd.s32 $0xFFFFFF80  }
0x15b: {  	_ =	sfence.sel $0x180000  }
0x15c: {  	[bflag:$0x0] =	sbarrier.arrive $0xFFFF  }
0x15d: {  	_ =	strace $0x90000047  }
0x15e: {  	s0 =	stileid.u32;
	[bflag:$0x2] =	sbarrier.arrive $0xFFFF  }
0x15f: {  	p0 =	sne.s32 s0, $0x0;
	s0 =	rddreg [dreg:$0x3]  }
0x160: {  	s0 =	sadd.s32 @!p0 $0x100000, s0  }
0x161: {  	[sflag:s0] =	ssyncadd.tile.s32 @!p0 $0x1;
	_ =	shalt  }
.Lfunc_end2:
_tile_overlayer_lowered:
.L_overlay_start_2:
0x162: {  	(tag) =	ssettag $0x2  }
0x163: {  	s0 =	rddreg [dreg:$0x0];
	s2 =	stileid.u32  }
0x164: {  	s1 =	rddreg [dreg:$0x1];
	p0 =	sne.s32 s2, $0x0  }
0x165: {  	s3 =	rddreg [dreg:$0x2];
	[bflag:$0x3] =	sbarrier.arrive $0xFFFF;
	s2 =	simm.s32 @!p0 $0x1C05  }
0x166: {  	[timem:s3], [sflag:s2] =	dma.local @!p0 [hbm:s0], s1  }
0x167: {  	s0 =	simm.s32 @!p0 $0x5  }
0x168: {  	_ =	swait.ge @!p0 [sflag:s0], s1  }
0x169: {  	s1 =	ssub.s32 @!p0 $0x0, s1;
	[sflag:s0] =	ssyncset.done @!p0 $0x0  }
0x16a: {  	[sflag:s0] =	ssyncadd.s32 @!p0 s1  }
0x16b: {  	[bflag:$0x3] =	sbarrier.arrive $0xFFFF  }
0x16c: {  	_ =	shalt  }

</sc_bundles>
